<compile_context>
chip_gen: v7x
topology: tpu7x:2x2x1
jax: 0.10.2.dev20260603
libtpu: 0.0.44.dev20260713+nightly
codegen_flags: <defaults>
</compile_context>

<pallas_src>
import functools

import jax
import jax.numpy as jnp
from jax import lax
from jax.experimental import pallas as pl
from jax.experimental.pallas import tpu as pltpu
from jax.experimental.pallas import tpu_sc as plsc

V = 10000
E = 320000
D = 128

NC = 2
NS = 16
NW = NC * NS

CHUNK = 128
NCH = E // CHUNK
NSLOT = 80
NBUF = 2
VP = 10240
RPT = VP // NS

_mesh = plsc.VectorSubcoreMesh(core_axis_name="c", subcore_axis_name="s")


@functools.partial(
    pl.kernel,
    out_type=jax.ShapeDtypeStruct((NC, VP, D), jnp.float32),
    mesh=_mesh,
    scratch_types=(
        [pltpu.VMEM((CHUNK, D), jnp.float32) for _ in range(NBUF)]
        + [pltpu.VMEM((2, CHUNK), jnp.int32) for _ in range(NBUF)]
        + [pltpu.VMEM_SHARED((VP, D), jnp.float32)]
        + [pltpu.SemaphoreType.DMA for _ in range(2 * NBUF)]
    ),
)
def _scatter_add_sc(x_hbm, idx_hbm, out_hbm, *scratch):
    xb = scratch[0:NBUF]
    ib = scratch[NBUF:2 * NBUF]
    msg_sh = scratch[2 * NBUF]
    lsem = scratch[2 * NBUF + 1:2 * NBUF + 1 + NBUF]
    ssem = scratch[2 * NBUF + 1 + NBUF:2 * NBUF + 1 + 2 * NBUF]

    c = lax.axis_index("c")
    s = lax.axis_index("s")
    w = c * NS + s

    def issue_loads(b, chid):
        pltpu.async_copy(x_hbm.at[chid], xb[b], lsem[b])
        pltpu.async_copy(idx_hbm.at[chid], ib[b], lsem[b])

    def wait_loads(b):
        pltpu.make_async_copy(x_hbm.at[0], xb[b], lsem[b]).wait()
        pltpu.make_async_copy(idx_hbm.at[0], ib[b], lsem[b]).wait()

    def drain_scatters(b):
        pltpu.make_async_copy(xb[b], msg_sh.at[ib[b].at[0]], ssem[b]).wait()
        pltpu.make_async_copy(xb[b], msg_sh.at[ib[b].at[1]], ssem[b]).wait()

    issue_loads(0, w)

    zrow = jnp.zeros((16,), jnp.float32)

    def zfill(i, carry):
        xb[1][i // 8, pl.ds((i % 8) * 16, 16)] = zrow
        return carry

    lax.fori_loop(0, CHUNK * (D // 16), zfill, 0)
    for r in range(RPT // CHUNK):
        pltpu.sync_copy(xb[1], msg_sh.at[pl.ds(s * RPT + r * CHUNK, CHUNK)])
    plsc.subcore_barrier()

    def group(g, carry):
        for p in range(NBUF):
            j = NBUF * g + p
            chid = w + NW * j
            q = (p + 1) % NBUF

            @pl.when(chid < NCH)
            def _():
                wait_loads(p)
                pltpu.async_copy(xb[p], msg_sh.at[ib[p].at[0]], ssem[p], add=True)
                pltpu.async_copy(xb[p], msg_sh.at[ib[p].at[1]], ssem[p], add=True)

            @pl.when(jnp.logical_and(chid >= NW, chid - NW < NCH))
            def _():
                drain_scatters(q)

            @pl.when(chid + NW < NCH)
            def _():
                issue_loads(q, chid + NW)
        return carry

    lax.fori_loop(0, NSLOT // NBUF, group, 0)
    plsc.subcore_barrier()

    pltpu.sync_copy(msg_sh.at[pl.ds(s * RPT, RPT)],
                    out_hbm.at[c, pl.ds(s * RPT, RPT)])


BLK = 1000


def _lstm_body(p_ref, h_ref, c_ref, wih_ref, whh_ref, b_ref, ho_ref, co_ref):
    msg = p_ref[0] + p_ref[1]
    h = h_ref[...]
    gates = lax.dot_general(msg, wih_ref[...], (((1,), (1,)), ((), ())),
                            preferred_element_type=jnp.float32)
    gates = gates + lax.dot_general(h, whh_ref[...], (((1,), (1,)), ((), ())),
                                    preferred_element_type=jnp.float32)
    gates = gates + b_ref[...]
    i = jax.nn.sigmoid(gates[:, 0 * D:1 * D])
    f = jax.nn.sigmoid(gates[:, 1 * D:2 * D])
    g = jnp.tanh(gates[:, 2 * D:3 * D])
    o = jax.nn.sigmoid(gates[:, 3 * D:4 * D])
    c_new = f * c_ref[...] + i * g
    ho_ref[...] = o * jnp.tanh(c_new)
    co_ref[...] = c_new


_lstm_call = pl.pallas_call(
    _lstm_body,
    grid=(V // BLK,),
    in_specs=[
        pl.BlockSpec((NC, BLK, D), lambda i: (0, i, 0)),
        pl.BlockSpec((BLK, D), lambda i: (i, 0)),
        pl.BlockSpec((BLK, D), lambda i: (i, 0)),
        pl.BlockSpec((4 * D, D), lambda i: (0, 0)),
        pl.BlockSpec((4 * D, D), lambda i: (0, 0)),
        pl.BlockSpec((1, 4 * D), lambda i: (0, 0)),
    ],
    out_specs=[
        pl.BlockSpec((BLK, D), lambda i: (i, 0)),
        pl.BlockSpec((BLK, D), lambda i: (i, 0)),
    ],
    out_shape=[
        jax.ShapeDtypeStruct((V, D), jnp.float32),
        jax.ShapeDtypeStruct((V, D), jnp.float32),
    ],
)


@jax.jit
def kernel(x_e, edge_index, h_v, c_v, v_batch, W_ih, W_hh, b_ih, b_hh):
    del v_batch
    x3 = x_e.reshape(NCH, CHUNK, D)
    idx3 = edge_index.astype(jnp.int32).reshape(2, NCH, CHUNK).transpose(1, 0, 2)
    partials = _scatter_add_sc(x3, idx3)
    bias = (b_ih + b_hh).reshape(1, 4 * D)
    h_new, c_new = _lstm_call(partials, h_v, c_v, W_ih, W_hh, bias)
    return (h_new, c_new)

# --- scband reference (transcript-rebuilt; emitter-appended) ---
"""Pipeline reference for scband-edge-to-vertex-layer-46669114638611 (READ-ONLY COPY).

The authoritative reference and input builder live on the scoring server;
editing this copy changes nothing except your own understanding.
"""

import jax, jax.numpy as jnp
import numpy as np

V = 10000
E = 320000
D = 128


def setup_inputs(seed: int = 0) -> dict:
    key = jax.random.key(seed)
    ks = jax.random.split(key, 9)
    x_e = jax.random.normal(ks[0], (E, D), dtype=jnp.float32)
    edge_index = jax.random.randint(ks[1], (2, E), 0, V, dtype=jnp.int64) if jax.config.jax_enable_x64 else jax.random.randint(ks[1], (2, E), 0, V, dtype=jnp.int32)
    h_v = jax.random.normal(ks[2], (V, D), dtype=jnp.float32)
    c_v = jax.random.normal(ks[3], (V, D), dtype=jnp.float32)
    v_batch = jnp.sort(jax.random.randint(ks[4], (V,), 0, 16))
    s = 1.0 / np.sqrt(D)
    W_ih = jax.random.uniform(ks[5], (4 * D, D), minval=-s, maxval=s, dtype=jnp.float32)
    W_hh = jax.random.uniform(ks[6], (4 * D, D), minval=-s, maxval=s, dtype=jnp.float32)
    b_ih = jax.random.uniform(ks[7], (4 * D,), minval=-s, maxval=s, dtype=jnp.float32)
    b_hh = jax.random.uniform(ks[8], (4 * D,), minval=-s, maxval=s, dtype=jnp.float32)
    return {"x_e": x_e, "edge_index": edge_index, "h_v": h_v, "c_v": c_v,
            "v_batch": v_batch, "W_ih": W_ih, "W_hh": W_hh, "b_ih": b_ih, "b_hh": b_hh}


def _lstm_cell(x, h, c, W_ih, W_hh, b_ih, b_hh):
    # torch nn.LSTM single step; gate order i, f, g, o
    gates = x @ W_ih.T + b_ih + h @ W_hh.T + b_hh
    i, f, g, o = jnp.split(gates, 4, axis=-1)
    i = jax.nn.sigmoid(i)
    f = jax.nn.sigmoid(f)
    g = jnp.tanh(g)
    o = jax.nn.sigmoid(o)
    c_new = f * c + i * g
    h_new = o * jnp.tanh(c_new)
    return h_new, c_new


def reference(x_e, edge_index, h_v, c_v, v_batch, W_ih, W_hh, b_ih, b_hh):
    # msg = adj_t.t() @ x_e : scatter-add edge embeddings onto their incident vertices.
    # adj_t is the binary incidence matrix [E, V] with nonzeros at (e, edge_index[0,e]) and (e, edge_index[1,e]).
    V_ = h_v.shape[0]
    msg = jnp.zeros((V_, x_e.shape[1]), dtype=x_e.dtype)
    msg = msg.at[edge_index[0]].add(x_e)
    msg = msg.at[edge_index[1]].add(x_e)
    # LSTM update with seq_len=1, batch=V (unsqueeze(0)/squeeze(0) in torch)
    h_new, c_new = _lstm_cell(msg, h_v, c_v, W_ih, W_hh, b_ih, b_hh)
    return (h_new, c_new)

if __name__ == "__main__":
    import jax
    _d = setup_inputs()
    print(jax.jit(kernel)(*tuple(_d.values())))

</pallas_src>

<mosaic_0001>
#map = affine_map<(d0, d1) -> (0, 0, 0)>
module attributes {stable_mosaic.version = 14 : i64} {
  func.func @_scatter_add_sc(%arg0: i32, %arg1: i32, %arg2: memref<2500x128x128xf32, #tpu.memory_space<hbm>>, %arg3: memref<2500x2x128xi32, #tpu.memory_space<hbm>>, %arg4: memref<2x10240x128xf32, #tpu.memory_space<hbm>>, %arg5: memref<128x128xf32, #tpu.memory_space<vmem>>, %arg6: memref<128x128xf32, #tpu.memory_space<vmem>>, %arg7: memref<2x128xi32, #tpu.memory_space<vmem>>, %arg8: memref<2x128xi32, #tpu.memory_space<vmem>>, %arg9: memref<10240x128xf32, #tpu.memory_space<vmem_shared>>, %arg10: memref<!tpu.dma_semaphore, #tpu.memory_space<semaphore_mem>>, %arg11: memref<!tpu.dma_semaphore, #tpu.memory_space<semaphore_mem>>, %arg12: memref<!tpu.dma_semaphore, #tpu.memory_space<semaphore_mem>>, %arg13: memref<!tpu.dma_semaphore, #tpu.memory_space<semaphore_mem>>) attributes {dimension_semantics = [#tpu.dimension_semantics<core_parallel>, #tpu.dimension_semantics<subcore_parallel>], iteration_bounds = array<i64: 2, 16>, scalar_prefetch = 0 : i64, scratch_operands = 9 : i64, tpu.core_type = #tpu.core_type<sc_vector_subcore>, window_params = [{transform_indices = #map}, {transform_indices = #map}, {transform_indices = #map}]} {
    %mul3A = arith.constant 16 : i32
    %mul3A_0 = arith.muli %arg0, %mul3A : i32
    %add3A = arith.addi %mul3A_0, %arg1 : i32
    %dma_start3A = arith.constant 0 : i32
    %dma_start3A_1 = arith.constant 0 : i32
    %dma_start3A_2 = tpu.memref_slice %arg2[%add3A, %dma_start3A, %dma_start3A_1] : memref<2500x128x128xf32, #tpu.memory_space<hbm>> -> memref<1x128x128xf32, #tpu.memory_space<hbm>>
    %dma_start3A_3 = tpu.memref_squeeze %dma_start3A_2 : memref<1x128x128xf32, #tpu.memory_space<hbm>> -> memref<128x128xf32, #tpu.memory_space<hbm>>
    %dma_start3A_4 = arith.constant 0 : i32
    %dma_start3A_5 = arith.constant 0 : i32
    %dma_start3A_6 = tpu.memref_slice %arg2[%add3A, %dma_start3A_4, %dma_start3A_5] : memref<2500x128x128xf32, #tpu.memory_space<hbm>> -> memref<1x128x128xf32, #tpu.memory_space<hbm>>
    %dma_start3A_7 = tpu.memref_squeeze %dma_start3A_6 : memref<1x128x128xf32, #tpu.memory_space<hbm>> -> memref<128x128xf32, #tpu.memory_space<hbm>>
    tpu.enqueue_dma source(%dma_start3A_7 : memref<128x128xf32, #tpu.memory_space<hbm>>) target(%arg5 : memref<128x128xf32, #tpu.memory_space<vmem>>) target_semaphore(%arg10 : memref<!tpu.dma_semaphore, #tpu.memory_space<semaphore_mem>>)
    %dma_start3A_8 = arith.constant 0 : i32
    %dma_start3A_9 = arith.constant 0 : i32
    %dma_start3A_10 = tpu.memref_slice %arg3[%add3A, %dma_start3A_8, %dma_start3A_9] : memref<2500x2x128xi32, #tpu.memory_space<hbm>> -> memref<1x2x128xi32, #tpu.memory_space<hbm>>
    %dma_start3A_11 = tpu.memref_squeeze %dma_start3A_10 : memref<1x2x128xi32, #tpu.memory_space<hbm>> -> memref<2x128xi32, #tpu.memory_space<hbm>>
    %dma_start3A_12 = arith.constant 0 : i32
    %dma_start3A_13 = arith.constant 0 : i32
    %dma_start3A_14 = tpu.memref_slice %arg3[%add3A, %dma_start3A_12, %dma_start3A_13] : memref<2500x2x128xi32, #tpu.memory_space<hbm>> -> memref<1x2x128xi32, #tpu.memory_space<hbm>>
    %dma_start3A_15 = tpu.memref_squeeze %dma_start3A_14 : memref<1x2x128xi32, #tpu.memory_space<hbm>> -> memref<2x128xi32, #tpu.memory_space<hbm>>
    tpu.enqueue_dma source(%dma_start3A_15 : memref<2x128xi32, #tpu.memory_space<hbm>>) target(%arg7 : memref<2x128xi32, #tpu.memory_space<vmem>>) target_semaphore(%arg10 : memref<!tpu.dma_semaphore, #tpu.memory_space<semaphore_mem>>)
    %broadcast_in_dim3A = arith.constant 0.000000e+00 : f32
    %broadcast_in_dim3A_16 = vector.broadcast %broadcast_in_dim3A : f32 to vector<16xf32>
    %scan3A = arith.constant 0 : i32
    %scan3A_17 = arith.constant 0 : i32
    %scan3A_18 = arith.constant 1024 : i32
    %scan3A_19 = arith.addi %scan3A_17, %scan3A_18 : i32
    %scan3A_20 = arith.constant 1 : i32
    scf.for %scan3A_53 = %scan3A_17 to %scan3A_19 step %scan3A_20  : i32 {
      %jit3A = arith.constant 8 : i32
      %div3A = arith.divsi %scan3A_53, %jit3A : i32
      %sign3A = arith.constant 0 : i32
      %sign3A_54 = arith.cmpi sgt, %scan3A_53, %sign3A : i32
      %sign3A_55 = arith.extui %sign3A_54 : i1 to i32
      %sign3A_56 = arith.constant 0 : i32
      %sign3A_57 = arith.cmpi slt, %scan3A_53, %sign3A_56 : i32
      %sign3A_58 = arith.extui %sign3A_57 : i1 to i32
      %sign3A_59 = arith.subi %sign3A_55, %sign3A_58 : i32
      %sign3A_60 = arith.constant 0 : i32
      %sign3A_61 = arith.cmpi sgt, %jit3A, %sign3A_60 : i32
      %sign3A_62 = arith.extui %sign3A_61 : i1 to i32
      %sign3A_63 = arith.constant 0 : i32
      %sign3A_64 = arith.cmpi slt, %jit3A, %sign3A_63 : i32
      %sign3A_65 = arith.extui %sign3A_64 : i1 to i32
      %sign3A_66 = arith.subi %sign3A_62, %sign3A_65 : i32
      %ne3A = arith.cmpi ne, %sign3A_59, %sign3A_66 : i32
      %rem3A = arith.remsi %scan3A_53, %jit3A : i32
      %ne3A_67 = arith.constant 0 : i32
      %ne3A_68 = arith.cmpi ne, %rem3A, %ne3A_67 : i32
      %and3A = arith.andi %ne3A, %ne3A_68 : i1
      %sub3A = arith.constant 1 : i32
      %sub3A_69 = arith.subi %div3A, %sub3A : i32
      %select_n3A = arith.select %and3A, %sub3A_69, %div3A : i32
      %jit3A_70 = arith.constant 8 : i32
      %eq3A = arith.constant 0 : i32
      %eq3A_71 = arith.cmpi eq, %jit3A_70, %eq3A : i32
      %jit3A_72 = arith.constant 1 : i32
      %select_n3A_73 = arith.select %eq3A_71, %jit3A_72, %jit3A_70 : i32
      %rem3A_74 = arith.remsi %scan3A_53, %select_n3A_73 : i32
      %ne3A_75 = arith.constant 0 : i32
      %ne3A_76 = arith.cmpi ne, %rem3A_74, %ne3A_75 : i32
      %lt3A = arith.constant 0 : i32
      %lt3A_77 = arith.cmpi slt, %rem3A_74, %lt3A : i32
      %lt3A_78 = arith.constant 0 : i32
      %lt3A_79 = arith.cmpi slt, %select_n3A_73, %lt3A_78 : i32
      %ne3A_80 = arith.xori %lt3A_77, %lt3A_79 : i1
      %and3A_81 = arith.andi %ne3A_80, %ne3A_76 : i1
      %add3A_82 = arith.addi %rem3A_74, %select_n3A_73 : i32
      %select_n3A_83 = arith.select %and3A_81, %add3A_82, %rem3A_74 : i32
      %mul3A_84 = arith.constant 16 : i32
      %mul3A_85 = arith.muli %select_n3A_83, %mul3A_84 : i32
      %swap3A = arith.index_cast %select_n3A : i32 to index
      %swap3A_86 = arith.index_cast %mul3A_85 : i32 to index
      %swap3A_87 = tpu.vector_load %arg6[%swap3A, %swap3A_86] {strides = array<i32>} : memref<128x128xf32, #tpu.memory_space<vmem>>, vector<1x16xf32>,
      %swap3A_88 = vector.shape_cast %swap3A_87 : vector<1x16xf32> to vector<16xf32>
      %swap3A_89 = vector.shape_cast %broadcast_in_dim3A_16 : vector<16xf32> to vector<1x16xf32>
      tpu.vector_store %arg6[%swap3A, %swap3A_86], %swap3A_89 {strides = array<i32>} : memref<128x128xf32, #tpu.memory_space<vmem>>, vector<1x16xf32>,
    }
    %scan3A_21 = arith.constant 1024 : i32
    %mul3A_22 = arith.constant 640 : i32
    %mul3A_23 = arith.muli %arg1, %mul3A_22 : i32
    %add3A_24 = arith.constant 0 : i32
    %add3A_25 = arith.addi %mul3A_23, %add3A_24 : i32
    "tpu.region"() ({
      %run_scoped3A = tpu.sem_alloc : memref<!tpu.dma_semaphore, #tpu.memory_space<semaphore_mem>>
      %dma_start3A_53 = arith.constant 0 : i32
      %dma_start3A_54 = tpu.memref_slice %arg9[%add3A_25, %dma_start3A_53] : memref<10240x128xf32, #tpu.memory_space<vmem_shared>> -> memref<128x128xf32, #tpu.memory_space<vmem_shared>>
      %dma_start3A_55 = arith.constant 0 : i32
      %dma_start3A_56 = tpu.memref_slice %arg9[%add3A_25, %dma_start3A_55] : memref<10240x128xf32, #tpu.memory_space<vmem_shared>> -> memref<128x128xf32, #tpu.memory_space<vmem_shared>>
      tpu.enqueue_dma source(%arg6 : memref<128x128xf32, #tpu.memory_space<vmem>>) target(%dma_start3A_56 : memref<128x128xf32, #tpu.memory_space<vmem_shared>>) target_semaphore(%run_scoped3A : memref<!tpu.dma_semaphore, #tpu.memory_space<semaphore_mem>>)
      %dma_wait3A = arith.constant 0 : i32
      %dma_wait3A_57 = tpu.memref_slice %arg9[%add3A_25, %dma_wait3A] : memref<10240x128xf32, #tpu.memory_space<vmem_shared>> -> memref<128x128xf32, #tpu.memory_space<vmem_shared>>
      %dma_wait3A_58 = arith.constant 0 : i32
      %dma_wait3A_59 = tpu.memref_slice %arg9[%add3A_25, %dma_wait3A_58] : memref<10240x128xf32, #tpu.memory_space<vmem_shared>> -> memref<128x128xf32, #tpu.memory_space<vmem_shared>>
      tpu.wait_dma2 semaphore(%run_scoped3A : memref<!tpu.dma_semaphore, #tpu.memory_space<semaphore_mem>>) src(%arg6 : memref<128x128xf32, #tpu.memory_space<vmem>>) dst(%dma_wait3A_59 : memref<128x128xf32, #tpu.memory_space<vmem_shared>>)
      tpu.yield
    }) : () -> ()
    %mul3A_26 = arith.constant 640 : i32
    %mul3A_27 = arith.muli %arg1, %mul3A_26 : i32
    %add3A_28 = arith.constant 128 : i32
    %add3A_29 = arith.addi %mul3A_27, %add3A_28 : i32
    "tpu.region"() ({
      %run_scoped3A = tpu.sem_alloc : memref<!tpu.dma_semaphore, #tpu.memory_space<semaphore_mem>>
      %dma_start3A_53 = arith.constant 0 : i32
      %dma_start3A_54 = tpu.memref_slice %arg9[%add3A_29, %dma_start3A_53] : memref<10240x128xf32, #tpu.memory_space<vmem_shared>> -> memref<128x128xf32, #tpu.memory_space<vmem_shared>>
      %dma_start3A_55 = arith.constant 0 : i32
      %dma_start3A_56 = tpu.memref_slice %arg9[%add3A_29, %dma_start3A_55] : memref<10240x128xf32, #tpu.memory_space<vmem_shared>> -> memref<128x128xf32, #tpu.memory_space<vmem_shared>>
      tpu.enqueue_dma source(%arg6 : memref<128x128xf32, #tpu.memory_space<vmem>>) target(%dma_start3A_56 : memref<128x128xf32, #tpu.memory_space<vmem_shared>>) target_semaphore(%run_scoped3A : memref<!tpu.dma_semaphore, #tpu.memory_space<semaphore_mem>>)
      %dma_wait3A = arith.constant 0 : i32
      %dma_wait3A_57 = tpu.memref_slice %arg9[%add3A_29, %dma_wait3A] : memref<10240x128xf32, #tpu.memory_space<vmem_shared>> -> memref<128x128xf32, #tpu.memory_space<vmem_shared>>
      %dma_wait3A_58 = arith.constant 0 : i32
      %dma_wait3A_59 = tpu.memref_slice %arg9[%add3A_29, %dma_wait3A_58] : memref<10240x128xf32, #tpu.memory_space<vmem_shared>> -> memref<128x128xf32, #tpu.memory_space<vmem_shared>>
      tpu.wait_dma2 semaphore(%run_scoped3A : memref<!tpu.dma_semaphore, #tpu.memory_space<semaphore_mem>>) src(%arg6 : memref<128x128xf32, #tpu.memory_space<vmem>>) dst(%dma_wait3A_59 : memref<128x128xf32, #tpu.memory_space<vmem_shared>>)
      tpu.yield
    }) : () -> ()
    %mul3A_30 = arith.constant 640 : i32
    %mul3A_31 = arith.muli %arg1, %mul3A_30 : i32
    %add3A_32 = arith.constant 256 : i32
    %add3A_33 = arith.addi %mul3A_31, %add3A_32 : i32
    "tpu.region"() ({
      %run_scoped3A = tpu.sem_alloc : memref<!tpu.dma_semaphore, #tpu.memory_space<semaphore_mem>>
      %dma_start3A_53 = arith.constant 0 : i32
      %dma_start3A_54 = tpu.memref_slice %arg9[%add3A_33, %dma_start3A_53] : memref<10240x128xf32, #tpu.memory_space<vmem_shared>> -> memref<128x128xf32, #tpu.memory_space<vmem_shared>>
      %dma_start3A_55 = arith.constant 0 : i32
      %dma_start3A_56 = tpu.memref_slice %arg9[%add3A_33, %dma_start3A_55] : memref<10240x128xf32, #tpu.memory_space<vmem_shared>> -> memref<128x128xf32, #tpu.memory_space<vmem_shared>>
      tpu.enqueue_dma source(%arg6 : memref<128x128xf32, #tpu.memory_space<vmem>>) target(%dma_start3A_56 : memref<128x128xf32, #tpu.memory_space<vmem_shared>>) target_semaphore(%run_scoped3A : memref<!tpu.dma_semaphore, #tpu.memory_space<semaphore_mem>>)
      %dma_wait3A = arith.constant 0 : i32
      %dma_wait3A_57 = tpu.memref_slice %arg9[%add3A_33, %dma_wait3A] : memref<10240x128xf32, #tpu.memory_space<vmem_shared>> -> memref<128x128xf32, #tpu.memory_space<vmem_shared>>
      %dma_wait3A_58 = arith.constant 0 : i32
      %dma_wait3A_59 = tpu.memref_slice %arg9[%add3A_33, %dma_wait3A_58] : memref<10240x128xf32, #tpu.memory_space<vmem_shared>> -> memref<128x128xf32, #tpu.memory_space<vmem_shared>>
      tpu.wait_dma2 semaphore(%run_scoped3A : memref<!tpu.dma_semaphore, #tpu.memory_space<semaphore_mem>>) src(%arg6 : memref<128x128xf32, #tpu.memory_space<vmem>>) dst(%dma_wait3A_59 : memref<128x128xf32, #tpu.memory_space<vmem_shared>>)
      tpu.yield
    }) : () -> ()
    %mul3A_34 = arith.constant 640 : i32
    %mul3A_35 = arith.muli %arg1, %mul3A_34 : i32
    %add3A_36 = arith.constant 384 : i32
    %add3A_37 = arith.addi %mul3A_35, %add3A_36 : i32
    "tpu.region"() ({
      %run_scoped3A = tpu.sem_alloc : memref<!tpu.dma_semaphore, #tpu.memory_space<semaphore_mem>>
      %dma_start3A_53 = arith.constant 0 : i32
      %dma_start3A_54 = tpu.memref_slice %arg9[%add3A_37, %dma_start3A_53] : memref<10240x128xf32, #tpu.memory_space<vmem_shared>> -> memref<128x128xf32, #tpu.memory_space<vmem_shared>>
      %dma_start3A_55 = arith.constant 0 : i32
      %dma_start3A_56 = tpu.memref_slice %arg9[%add3A_37, %dma_start3A_55] : memref<10240x128xf32, #tpu.memory_space<vmem_shared>> -> memref<128x128xf32, #tpu.memory_space<vmem_shared>>
      tpu.enqueue_dma source(%arg6 : memref<128x128xf32, #tpu.memory_space<vmem>>) target(%dma_start3A_56 : memref<128x128xf32, #tpu.memory_space<vmem_shared>>) target_semaphore(%run_scoped3A : memref<!tpu.dma_semaphore, #tpu.memory_space<semaphore_mem>>)
      %dma_wait3A = arith.constant 0 : i32
      %dma_wait3A_57 = tpu.memref_slice %arg9[%add3A_37, %dma_wait3A] : memref<10240x128xf32, #tpu.memory_space<vmem_shared>> -> memref<128x128xf32, #tpu.memory_space<vmem_shared>>
      %dma_wait3A_58 = arith.constant 0 : i32
      %dma_wait3A_59 = tpu.memref_slice %arg9[%add3A_37, %dma_wait3A_58] : memref<10240x128xf32, #tpu.memory_space<vmem_shared>> -> memref<128x128xf32, #tpu.memory_space<vmem_shared>>
      tpu.wait_dma2 semaphore(%run_scoped3A : memref<!tpu.dma_semaphore, #tpu.memory_space<semaphore_mem>>) src(%arg6 : memref<128x128xf32, #tpu.memory_space<vmem>>) dst(%dma_wait3A_59 : memref<128x128xf32, #tpu.memory_space<vmem_shared>>)
      tpu.yield
    }) : () -> ()
    %mul3A_38 = arith.constant 640 : i32
    %mul3A_39 = arith.muli %arg1, %mul3A_38 : i32
    %add3A_40 = arith.constant 512 : i32
    %add3A_41 = arith.addi %mul3A_39, %add3A_40 : i32
    "tpu.region"() ({
      %run_scoped3A = tpu.sem_alloc : memref<!tpu.dma_semaphore, #tpu.memory_space<semaphore_mem>>
      %dma_start3A_53 = arith.constant 0 : i32
      %dma_start3A_54 = tpu.memref_slice %arg9[%add3A_41, %dma_start3A_53] : memref<10240x128xf32, #tpu.memory_space<vmem_shared>> -> memref<128x128xf32, #tpu.memory_space<vmem_shared>>
      %dma_start3A_55 = arith.constant 0 : i32
      %dma_start3A_56 = tpu.memref_slice %arg9[%add3A_41, %dma_start3A_55] : memref<10240x128xf32, #tpu.memory_space<vmem_shared>> -> memref<128x128xf32, #tpu.memory_space<vmem_shared>>
      tpu.enqueue_dma source(%arg6 : memref<128x128xf32, #tpu.memory_space<vmem>>) target(%dma_start3A_56 : memref<128x128xf32, #tpu.memory_space<vmem_shared>>) target_semaphore(%run_scoped3A : memref<!tpu.dma_semaphore, #tpu.memory_space<semaphore_mem>>)
      %dma_wait3A = arith.constant 0 : i32
      %dma_wait3A_57 = tpu.memref_slice %arg9[%add3A_41, %dma_wait3A] : memref<10240x128xf32, #tpu.memory_space<vmem_shared>> -> memref<128x128xf32, #tpu.memory_space<vmem_shared>>
      %dma_wait3A_58 = arith.constant 0 : i32
      %dma_wait3A_59 = tpu.memref_slice %arg9[%add3A_41, %dma_wait3A_58] : memref<10240x128xf32, #tpu.memory_space<vmem_shared>> -> memref<128x128xf32, #tpu.memory_space<vmem_shared>>
      tpu.wait_dma2 semaphore(%run_scoped3A : memref<!tpu.dma_semaphore, #tpu.memory_space<semaphore_mem>>) src(%arg6 : memref<128x128xf32, #tpu.memory_space<vmem>>) dst(%dma_wait3A_59 : memref<128x128xf32, #tpu.memory_space<vmem_shared>>)
      tpu.yield
    }) : () -> ()
    %barrier3A = arith.constant 0 : index
    tpu.barrier barrier_id(%barrier3A)
    %scan3A_42 = arith.constant 0 : i32
    %scan3A_43 = arith.constant 0 : i32
    %scan3A_44 = arith.constant 40 : i32
    %scan3A_45 = arith.addi %scan3A_43, %scan3A_44 : i32
    %scan3A_46 = arith.constant 1 : i32
    scf.for %scan3A_53 = %scan3A_43 to %scan3A_45 step %scan3A_46  : i32 {
      %mul3A_54 = arith.constant 2 : i32
      %mul3A_55 = arith.muli %mul3A_54, %scan3A_53 : i32
      %add3A_56 = arith.constant 0 : i32
      %add3A_57 = arith.addi %mul3A_55, %add3A_56 : i32
      %mul3A_58 = arith.constant 32 : i32
      %mul3A_59 = arith.muli %mul3A_58, %add3A_57 : i32
      %add3A_60 = arith.addi %add3A, %mul3A_59 : i32
      %lt3A = arith.constant 2500 : i32
      %lt3A_61 = arith.cmpi slt, %add3A_60, %lt3A : i32
      %convert_element_type3A = arith.extui %lt3A_61 : i1 to i32
      %cond3A = arith.constant 0 : i32
      %cond3A_62 = arith.cmpi ne, %convert_element_type3A, %cond3A : i32
      scf.if %cond3A_62 {
        %dma_wait3A = arith.constant 0 : i32
        %dma_wait3A_106 = arith.constant 0 : i32
        %dma_wait3A_107 = arith.constant 0 : i32
        %dma_wait3A_108 = tpu.memref_slice %arg2[%dma_wait3A, %dma_wait3A_106, %dma_wait3A_107] : memref<2500x128x128xf32, #tpu.memory_space<hbm>> -> memref<1x128x128xf32, #tpu.memory_space<hbm>>
        %dma_wait3A_109 = tpu.memref_squeeze %dma_wait3A_108 : memref<1x128x128xf32, #tpu.memory_space<hbm>> -> memref<128x128xf32, #tpu.memory_space<hbm>>
        %dma_wait3A_110 = arith.constant 0 : i32
        %dma_wait3A_111 = arith.constant 0 : i32
        %dma_wait3A_112 = tpu.memref_slice %arg2[%dma_wait3A, %dma_wait3A_110, %dma_wait3A_111] : memref<2500x128x128xf32, #tpu.memory_space<hbm>> -> memref<1x128x128xf32, #tpu.memory_space<hbm>>
        %dma_wait3A_113 = tpu.memref_squeeze %dma_wait3A_112 : memref<1x128x128xf32, #tpu.memory_space<hbm>> -> memref<128x128xf32, #tpu.memory_space<hbm>>
        tpu.wait_dma2 semaphore(%arg10 : memref<!tpu.dma_semaphore, #tpu.memory_space<semaphore_mem>>) src(%dma_wait3A_113 : memref<128x128xf32, #tpu.memory_space<hbm>>) dst(%arg5 : memref<128x128xf32, #tpu.memory_space<vmem>>)
        %dma_wait3A_114 = arith.constant 0 : i32
        %dma_wait3A_115 = arith.constant 0 : i32
        %dma_wait3A_116 = arith.constant 0 : i32
        %dma_wait3A_117 = tpu.memref_slice %arg3[%dma_wait3A_114, %dma_wait3A_115, %dma_wait3A_116] : memref<2500x2x128xi32, #tpu.memory_space<hbm>> -> memref<1x2x128xi32, #tpu.memory_space<hbm>>
        %dma_wait3A_118 = tpu.memref_squeeze %dma_wait3A_117 : memref<1x2x128xi32, #tpu.memory_space<hbm>> -> memref<2x128xi32, #tpu.memory_space<hbm>>
        %dma_wait3A_119 = arith.constant 0 : i32
        %dma_wait3A_120 = arith.constant 0 : i32
        %dma_wait3A_121 = tpu.memref_slice %arg3[%dma_wait3A_114, %dma_wait3A_119, %dma_wait3A_120] : memref<2500x2x128xi32, #tpu.memory_space<hbm>> -> memref<1x2x128xi32, #tpu.memory_space<hbm>>
        %dma_wait3A_122 = tpu.memref_squeeze %dma_wait3A_121 : memref<1x2x128xi32, #tpu.memory_space<hbm>> -> memref<2x128xi32, #tpu.memory_space<hbm>>
        tpu.wait_dma2 semaphore(%arg10 : memref<!tpu.dma_semaphore, #tpu.memory_space<semaphore_mem>>) src(%dma_wait3A_122 : memref<2x128xi32, #tpu.memory_space<hbm>>) dst(%arg7 : memref<2x128xi32, #tpu.memory_space<vmem>>)
        %dma_start3A_123 = arith.constant 0 : i32
        %dma_start3A_124 = arith.constant 0 : i32
        %dma_start3A_125 = tpu.memref_slice %arg7[%dma_start3A_123, %dma_start3A_124] : memref<2x128xi32, #tpu.memory_space<vmem>> -> memref<1x128xi32, #tpu.memory_space<vmem>>
        %dma_start3A_126 = tpu.memref_squeeze %dma_start3A_125 : memref<1x128xi32, #tpu.memory_space<vmem>> -> memref<128xi32, #tpu.memory_space<vmem>>
        %dma_start3A_127 = arith.constant 0 : i32
        %dma_start3A_128 = arith.constant 0 : i32
        %dma_start3A_129 = tpu.memref_slice %arg9[%dma_start3A_127, %dma_start3A_128] : memref<10240x128xf32, #tpu.memory_space<vmem_shared>> -> memref<10240x128xf32, #tpu.memory_space<vmem_shared>>
        tpu.enqueue_indirect_dma source(%arg5 : memref<128x128xf32, #tpu.memory_space<vmem>>) target(%dma_start3A_129 : memref<10240x128xf32, #tpu.memory_space<vmem_shared>>) offsets(%dma_start3A_126 : memref<128xi32, #tpu.memory_space<vmem>>) semaphore(%arg12 : memref<!tpu.dma_semaphore, #tpu.memory_space<semaphore_mem>>) {add = true}
        %dma_start3A_130 = arith.constant 1 : i32
        %dma_start3A_131 = arith.constant 0 : i32
        %dma_start3A_132 = tpu.memref_slice %arg7[%dma_start3A_130, %dma_start3A_131] : memref<2x128xi32, #tpu.memory_space<vmem>> -> memref<1x128xi32, #tpu.memory_space<vmem>>
        %dma_start3A_133 = tpu.memref_squeeze %dma_start3A_132 : memref<1x128xi32, #tpu.memory_space<vmem>> -> memref<128xi32, #tpu.memory_space<vmem>>
        %dma_start3A_134 = arith.constant 0 : i32
        %dma_start3A_135 = arith.constant 0 : i32
        %dma_start3A_136 = tpu.memref_slice %arg9[%dma_start3A_134, %dma_start3A_135] : memref<10240x128xf32, #tpu.memory_space<vmem_shared>> -> memref<10240x128xf32, #tpu.memory_space<vmem_shared>>
        tpu.enqueue_indirect_dma source(%arg5 : memref<128x128xf32, #tpu.memory_space<vmem>>) target(%dma_start3A_136 : memref<10240x128xf32, #tpu.memory_space<vmem_shared>>) offsets(%dma_start3A_133 : memref<128xi32, #tpu.memory_space<vmem>>) semaphore(%arg12 : memref<!tpu.dma_semaphore, #tpu.memory_space<semaphore_mem>>) {add = true}
      } else {
      }
      %ge3A = arith.constant 32 : i32
      %ge3A_63 = arith.cmpi sge, %add3A_60, %ge3A : i32
      %sub3A = arith.constant 32 : i32
      %sub3A_64 = arith.subi %add3A_60, %sub3A : i32
      %lt3A_65 = arith.constant 2500 : i32
      %lt3A_66 = arith.cmpi slt, %sub3A_64, %lt3A_65 : i32
      %and3A = arith.andi %ge3A_63, %lt3A_66 : i1
      %convert_element_type3A_67 = arith.extui %and3A : i1 to i32
      %cond3A_68 = arith.constant 0 : i32
      %cond3A_69 = arith.cmpi ne, %convert_element_type3A_67, %cond3A_68 : i32
      scf.if %cond3A_69 {
        %dma_wait3A = arith.constant 0 : i32
        %dma_wait3A_106 = arith.constant 0 : i32
        %dma_wait3A_107 = tpu.memref_slice %arg8[%dma_wait3A, %dma_wait3A_106] : memref<2x128xi32, #tpu.memory_space<vmem>> -> memref<1x128xi32, #tpu.memory_space<vmem>>
        %dma_wait3A_108 = tpu.memref_squeeze %dma_wait3A_107 : memref<1x128xi32, #tpu.memory_space<vmem>> -> memref<128xi32, #tpu.memory_space<vmem>>
        %dma_wait3A_109 = arith.constant 0 : i32
        %dma_wait3A_110 = arith.constant 0 : i32
        %dma_wait3A_111 = tpu.memref_slice %arg9[%dma_wait3A_109, %dma_wait3A_110] : memref<10240x128xf32, #tpu.memory_space<vmem_shared>> -> memref<10240x128xf32, #tpu.memory_space<vmem_shared>>
        tpu.wait_indirect_dma semaphore(%arg13 : memref<!tpu.dma_semaphore, #tpu.memory_space<semaphore_mem>>) src(%arg6 : memref<128x128xf32, #tpu.memory_space<vmem>>) dst(%dma_wait3A_111 : memref<10240x128xf32, #tpu.memory_space<vmem_shared>>)
        %dma_wait3A_112 = arith.constant 1 : i32
        %dma_wait3A_113 = arith.constant 0 : i32
        %dma_wait3A_114 = tpu.memref_slice %arg8[%dma_wait3A_112, %dma_wait3A_113] : memref<2x128xi32, #tpu.memory_space<vmem>> -> memref<1x128xi32, #tpu.memory_space<vmem>>
        %dma_wait3A_115 = tpu.memref_squeeze %dma_wait3A_114 : memref<1x128xi32, #tpu.memory_space<vmem>> -> memref<128xi32, #tpu.memory_space<vmem>>
        %dma_wait3A_116 = arith.constant 0 : i32
        %dma_wait3A_117 = arith.constant 0 : i32
        %dma_wait3A_118 = tpu.memref_slice %arg9[%dma_wait3A_116, %dma_wait3A_117] : memref<10240x128xf32, #tpu.memory_space<vmem_shared>> -> memref<10240x128xf32, #tpu.memory_space<vmem_shared>>
        tpu.wait_indirect_dma semaphore(%arg13 : memref<!tpu.dma_semaphore, #tpu.memory_space<semaphore_mem>>) src(%arg6 : memref<128x128xf32, #tpu.memory_space<vmem>>) dst(%dma_wait3A_118 : memref<10240x128xf32, #tpu.memory_space<vmem_shared>>)
      } else {
      }
      %add3A_70 = arith.constant 32 : i32
      %add3A_71 = arith.addi %add3A_60, %add3A_70 : i32
      %lt3A_72 = arith.constant 2500 : i32
      %lt3A_73 = arith.cmpi slt, %add3A_71, %lt3A_72 : i32
      %convert_element_type3A_74 = arith.extui %lt3A_73 : i1 to i32
      %cond3A_75 = arith.constant 0 : i32
      %cond3A_76 = arith.cmpi ne, %convert_element_type3A_74, %cond3A_75 : i32
      scf.if %cond3A_76 {
        %add3A_106 = arith.constant 32 : i32
        %add3A_107 = arith.addi %add3A_60, %add3A_106 : i32
        %dma_start3A_108 = arith.constant 0 : i32
        %dma_start3A_109 = arith.constant 0 : i32
        %dma_start3A_110 = tpu.memref_slice %arg2[%add3A_107, %dma_start3A_108, %dma_start3A_109] : memref<2500x128x128xf32, #tpu.memory_space<hbm>> -> memref<1x128x128xf32, #tpu.memory_space<hbm>>
        %dma_start3A_111 = tpu.memref_squeeze %dma_start3A_110 : memref<1x128x128xf32, #tpu.memory_space<hbm>> -> memref<128x128xf32, #tpu.memory_space<hbm>>
        %dma_start3A_112 = arith.constant 0 : i32
        %dma_start3A_113 = arith.constant 0 : i32
        %dma_start3A_114 = tpu.memref_slice %arg2[%add3A_107, %dma_start3A_112, %dma_start3A_113] : memref<2500x128x128xf32, #tpu.memory_space<hbm>> -> memref<1x128x128xf32, #tpu.memory_space<hbm>>
        %dma_start3A_115 = tpu.memref_squeeze %dma_start3A_114 : memref<1x128x128xf32, #tpu.memory_space<hbm>> -> memref<128x128xf32, #tpu.memory_space<hbm>>
        tpu.enqueue_dma source(%dma_start3A_115 : memref<128x128xf32, #tpu.memory_space<hbm>>) target(%arg6 : memref<128x128xf32, #tpu.memory_space<vmem>>) target_semaphore(%arg11 : memref<!tpu.dma_semaphore, #tpu.memory_space<semaphore_mem>>)
        %dma_start3A_116 = arith.constant 0 : i32
        %dma_start3A_117 = arith.constant 0 : i32
        %dma_start3A_118 = tpu.memref_slice %arg3[%add3A_107, %dma_start3A_116, %dma_start3A_117] : memref<2500x2x128xi32, #tpu.memory_space<hbm>> -> memref<1x2x128xi32, #tpu.memory_space<hbm>>
        %dma_start3A_119 = tpu.memref_squeeze %dma_start3A_118 : memref<1x2x128xi32, #tpu.memory_space<hbm>> -> memref<2x128xi32, #tpu.memory_space<hbm>>
        %dma_start3A_120 = arith.constant 0 : i32
        %dma_start3A_121 = arith.constant 0 : i32
        %dma_start3A_122 = tpu.memref_slice %arg3[%add3A_107, %dma_start3A_120, %dma_start3A_121] : memref<2500x2x128xi32, #tpu.memory_space<hbm>> -> memref<1x2x128xi32, #tpu.memory_space<hbm>>
        %dma_start3A_123 = tpu.memref_squeeze %dma_start3A_122 : memref<1x2x128xi32, #tpu.memory_space<hbm>> -> memref<2x128xi32, #tpu.memory_space<hbm>>
        tpu.enqueue_dma source(%dma_start3A_123 : memref<2x128xi32, #tpu.memory_space<hbm>>) target(%arg8 : memref<2x128xi32, #tpu.memory_space<vmem>>) target_semaphore(%arg11 : memref<!tpu.dma_semaphore, #tpu.memory_space<semaphore_mem>>)
      } else {
      }
      %mul3A_77 = arith.constant 2 : i32
      %mul3A_78 = arith.muli %mul3A_77, %scan3A_53 : i32
      %add3A_79 = arith.constant 1 : i32
      %add3A_80 = arith.addi %mul3A_78, %add3A_79 : i32
      %mul3A_81 = arith.constant 32 : i32
      %mul3A_82 = arith.muli %mul3A_81, %add3A_80 : i32
      %add3A_83 = arith.addi %add3A, %mul3A_82 : i32
      %lt3A_84 = arith.constant 2500 : i32
      %lt3A_85 = arith.cmpi slt, %add3A_83, %lt3A_84 : i32
      %convert_element_type3A_86 = arith.extui %lt3A_85 : i1 to i32
      %cond3A_87 = arith.constant 0 : i32
      %cond3A_88 = arith.cmpi ne, %convert_element_type3A_86, %cond3A_87 : i32
      scf.if %cond3A_88 {
        %dma_wait3A = arith.constant 0 : i32
        %dma_wait3A_106 = arith.constant 0 : i32
        %dma_wait3A_107 = arith.constant 0 : i32
        %dma_wait3A_108 = tpu.memref_slice %arg2[%dma_wait3A, %dma_wait3A_106, %dma_wait3A_107] : memref<2500x128x128xf32, #tpu.memory_space<hbm>> -> memref<1x128x128xf32, #tpu.memory_space<hbm>>
        %dma_wait3A_109 = tpu.memref_squeeze %dma_wait3A_108 : memref<1x128x128xf32, #tpu.memory_space<hbm>> -> memref<128x128xf32, #tpu.memory_space<hbm>>
        %dma_wait3A_110 = arith.constant 0 : i32
        %dma_wait3A_111 = arith.constant 0 : i32
        %dma_wait3A_112 = tpu.memref_slice %arg2[%dma_wait3A, %dma_wait3A_110, %dma_wait3A_111] : memref<2500x128x128xf32, #tpu.memory_space<hbm>> -> memref<1x128x128xf32, #tpu.memory_space<hbm>>
        %dma_wait3A_113 = tpu.memref_squeeze %dma_wait3A_112 : memref<1x128x128xf32, #tpu.memory_space<hbm>> -> memref<128x128xf32, #tpu.memory_space<hbm>>
        tpu.wait_dma2 semaphore(%arg11 : memref<!tpu.dma_semaphore, #tpu.memory_space<semaphore_mem>>) src(%dma_wait3A_113 : memref<128x128xf32, #tpu.memory_space<hbm>>) dst(%arg6 : memref<128x128xf32, #tpu.memory_space<vmem>>)
        %dma_wait3A_114 = arith.constant 0 : i32
        %dma_wait3A_115 = arith.constant 0 : i32
        %dma_wait3A_116 = arith.constant 0 : i32
        %dma_wait3A_117 = tpu.memref_slice %arg3[%dma_wait3A_114, %dma_wait3A_115, %dma_wait3A_116] : memref<2500x2x128xi32, #tpu.memory_space<hbm>> -> memref<1x2x128xi32, #tpu.memory_space<hbm>>
        %dma_wait3A_118 = tpu.memref_squeeze %dma_wait3A_117 : memref<1x2x128xi32, #tpu.memory_space<hbm>> -> memref<2x128xi32, #tpu.memory_space<hbm>>
        %dma_wait3A_119 = arith.constant 0 : i32
        %dma_wait3A_120 = arith.constant 0 : i32
        %dma_wait3A_121 = tpu.memref_slice %arg3[%dma_wait3A_114, %dma_wait3A_119, %dma_wait3A_120] : memref<2500x2x128xi32, #tpu.memory_space<hbm>> -> memref<1x2x128xi32, #tpu.memory_space<hbm>>
        %dma_wait3A_122 = tpu.memref_squeeze %dma_wait3A_121 : memref<1x2x128xi32, #tpu.memory_space<hbm>> -> memref<2x128xi32, #tpu.memory_space<hbm>>
        tpu.wait_dma2 semaphore(%arg11 : memref<!tpu.dma_semaphore, #tpu.memory_space<semaphore_mem>>) src(%dma_wait3A_122 : memref<2x128xi32, #tpu.memory_space<hbm>>) dst(%arg8 : memref<2x128xi32, #tpu.memory_space<vmem>>)
        %dma_start3A_123 = arith.constant 0 : i32
        %dma_start3A_124 = arith.constant 0 : i32
        %dma_start3A_125 = tpu.memref_slice %arg8[%dma_start3A_123, %dma_start3A_124] : memref<2x128xi32, #tpu.memory_space<vmem>> -> memref<1x128xi32, #tpu.memory_space<vmem>>
        %dma_start3A_126 = tpu.memref_squeeze %dma_start3A_125 : memref<1x128xi32, #tpu.memory_space<vmem>> -> memref<128xi32, #tpu.memory_space<vmem>>
        %dma_start3A_127 = arith.constant 0 : i32
        %dma_start3A_128 = arith.constant 0 : i32
        %dma_start3A_129 = tpu.memref_slice %arg9[%dma_start3A_127, %dma_start3A_128] : memref<10240x128xf32, #tpu.memory_space<vmem_shared>> -> memref<10240x128xf32, #tpu.memory_space<vmem_shared>>
        tpu.enqueue_indirect_dma source(%arg6 : memref<128x128xf32, #tpu.memory_space<vmem>>) target(%dma_start3A_129 : memref<10240x128xf32, #tpu.memory_space<vmem_shared>>) offsets(%dma_start3A_126 : memref<128xi32, #tpu.memory_space<vmem>>) semaphore(%arg13 : memref<!tpu.dma_semaphore, #tpu.memory_space<semaphore_mem>>) {add = true}
        %dma_start3A_130 = arith.constant 1 : i32
        %dma_start3A_131 = arith.constant 0 : i32
        %dma_start3A_132 = tpu.memref_slice %arg8[%dma_start3A_130, %dma_start3A_131] : memref<2x128xi32, #tpu.memory_space<vmem>> -> memref<1x128xi32, #tpu.memory_space<vmem>>
        %dma_start3A_133 = tpu.memref_squeeze %dma_start3A_132 : memref<1x128xi32, #tpu.memory_space<vmem>> -> memref<128xi32, #tpu.memory_space<vmem>>
        %dma_start3A_134 = arith.constant 0 : i32
        %dma_start3A_135 = arith.constant 0 : i32
        %dma_start3A_136 = tpu.memref_slice %arg9[%dma_start3A_134, %dma_start3A_135] : memref<10240x128xf32, #tpu.memory_space<vmem_shared>> -> memref<10240x128xf32, #tpu.memory_space<vmem_shared>>
        tpu.enqueue_indirect_dma source(%arg6 : memref<128x128xf32, #tpu.memory_space<vmem>>) target(%dma_start3A_136 : memref<10240x128xf32, #tpu.memory_space<vmem_shared>>) offsets(%dma_start3A_133 : memref<128xi32, #tpu.memory_space<vmem>>) semaphore(%arg13 : memref<!tpu.dma_semaphore, #tpu.memory_space<semaphore_mem>>) {add = true}
      } else {
      }
      %ge3A_89 = arith.constant 32 : i32
      %ge3A_90 = arith.cmpi sge, %add3A_83, %ge3A_89 : i32
      %sub3A_91 = arith.constant 32 : i32
      %sub3A_92 = arith.subi %add3A_83, %sub3A_91 : i32
      %lt3A_93 = arith.constant 2500 : i32
      %lt3A_94 = arith.cmpi slt, %sub3A_92, %lt3A_93 : i32
      %and3A_95 = arith.andi %ge3A_90, %lt3A_94 : i1
      %convert_element_type3A_96 = arith.extui %and3A_95 : i1 to i32
      %cond3A_97 = arith.constant 0 : i32
      %cond3A_98 = arith.cmpi ne, %convert_element_type3A_96, %cond3A_97 : i32
      scf.if %cond3A_98 {
        %dma_wait3A = arith.constant 0 : i32
        %dma_wait3A_106 = arith.constant 0 : i32
        %dma_wait3A_107 = tpu.memref_slice %arg7[%dma_wait3A, %dma_wait3A_106] : memref<2x128xi32, #tpu.memory_space<vmem>> -> memref<1x128xi32, #tpu.memory_space<vmem>>
        %dma_wait3A_108 = tpu.memref_squeeze %dma_wait3A_107 : memref<1x128xi32, #tpu.memory_space<vmem>> -> memref<128xi32, #tpu.memory_space<vmem>>
        %dma_wait3A_109 = arith.constant 0 : i32
        %dma_wait3A_110 = arith.constant 0 : i32
        %dma_wait3A_111 = tpu.memref_slice %arg9[%dma_wait3A_109, %dma_wait3A_110] : memref<10240x128xf32, #tpu.memory_space<vmem_shared>> -> memref<10240x128xf32, #tpu.memory_space<vmem_shared>>
        tpu.wait_indirect_dma semaphore(%arg12 : memref<!tpu.dma_semaphore, #tpu.memory_space<semaphore_mem>>) src(%arg5 : memref<128x128xf32, #tpu.memory_space<vmem>>) dst(%dma_wait3A_111 : memref<10240x128xf32, #tpu.memory_space<vmem_shared>>)
        %dma_wait3A_112 = arith.constant 1 : i32
        %dma_wait3A_113 = arith.constant 0 : i32
        %dma_wait3A_114 = tpu.memref_slice %arg7[%dma_wait3A_112, %dma_wait3A_113] : memref<2x128xi32, #tpu.memory_space<vmem>> -> memref<1x128xi32, #tpu.memory_space<vmem>>
        %dma_wait3A_115 = tpu.memref_squeeze %dma_wait3A_114 : memref<1x128xi32, #tpu.memory_space<vmem>> -> memref<128xi32, #tpu.memory_space<vmem>>
        %dma_wait3A_116 = arith.constant 0 : i32
        %dma_wait3A_117 = arith.constant 0 : i32
        %dma_wait3A_118 = tpu.memref_slice %arg9[%dma_wait3A_116, %dma_wait3A_117] : memref<10240x128xf32, #tpu.memory_space<vmem_shared>> -> memref<10240x128xf32, #tpu.memory_space<vmem_shared>>
        tpu.wait_indirect_dma semaphore(%arg12 : memref<!tpu.dma_semaphore, #tpu.memory_space<semaphore_mem>>) src(%arg5 : memref<128x128xf32, #tpu.memory_space<vmem>>) dst(%dma_wait3A_118 : memref<10240x128xf32, #tpu.memory_space<vmem_shared>>)
      } else {
      }
      %add3A_99 = arith.constant 32 : i32
      %add3A_100 = arith.addi %add3A_83, %add3A_99 : i32
      %lt3A_101 = arith.constant 2500 : i32
      %lt3A_102 = arith.cmpi slt, %add3A_100, %lt3A_101 : i32
      %convert_element_type3A_103 = arith.extui %lt3A_102 : i1 to i32
      %cond3A_104 = arith.constant 0 : i32
      %cond3A_105 = arith.cmpi ne, %convert_element_type3A_103, %cond3A_104 : i32
      scf.if %cond3A_105 {
        %add3A_106 = arith.constant 32 : i32
        %add3A_107 = arith.addi %add3A_83, %add3A_106 : i32
        %dma_start3A_108 = arith.constant 0 : i32
        %dma_start3A_109 = arith.constant 0 : i32
        %dma_start3A_110 = tpu.memref_slice %arg2[%add3A_107, %dma_start3A_108, %dma_start3A_109] : memref<2500x128x128xf32, #tpu.memory_space<hbm>> -> memref<1x128x128xf32, #tpu.memory_space<hbm>>
        %dma_start3A_111 = tpu.memref_squeeze %dma_start3A_110 : memref<1x128x128xf32, #tpu.memory_space<hbm>> -> memref<128x128xf32, #tpu.memory_space<hbm>>
        %dma_start3A_112 = arith.constant 0 : i32
        %dma_start3A_113 = arith.constant 0 : i32
        %dma_start3A_114 = tpu.memref_slice %arg2[%add3A_107, %dma_start3A_112, %dma_start3A_113] : memref<2500x128x128xf32, #tpu.memory_space<hbm>> -> memref<1x128x128xf32, #tpu.memory_space<hbm>>
        %dma_start3A_115 = tpu.memref_squeeze %dma_start3A_114 : memref<1x128x128xf32, #tpu.memory_space<hbm>> -> memref<128x128xf32, #tpu.memory_space<hbm>>
        tpu.enqueue_dma source(%dma_start3A_115 : memref<128x128xf32, #tpu.memory_space<hbm>>) target(%arg5 : memref<128x128xf32, #tpu.memory_space<vmem>>) target_semaphore(%arg10 : memref<!tpu.dma_semaphore, #tpu.memory_space<semaphore_mem>>)
        %dma_start3A_116 = arith.constant 0 : i32
        %dma_start3A_117 = arith.constant 0 : i32
        %dma_start3A_118 = tpu.memref_slice %arg3[%add3A_107, %dma_start3A_116, %dma_start3A_117] : memref<2500x2x128xi32, #tpu.memory_space<hbm>> -> memref<1x2x128xi32, #tpu.memory_space<hbm>>
        %dma_start3A_119 = tpu.memref_squeeze %dma_start3A_118 : memref<1x2x128xi32, #tpu.memory_space<hbm>> -> memref<2x128xi32, #tpu.memory_space<hbm>>
        %dma_start3A_120 = arith.constant 0 : i32
        %dma_start3A_121 = arith.constant 0 : i32
        %dma_start3A_122 = tpu.memref_slice %arg3[%add3A_107, %dma_start3A_120, %dma_start3A_121] : memref<2500x2x128xi32, #tpu.memory_space<hbm>> -> memref<1x2x128xi32, #tpu.memory_space<hbm>>
        %dma_start3A_123 = tpu.memref_squeeze %dma_start3A_122 : memref<1x2x128xi32, #tpu.memory_space<hbm>> -> memref<2x128xi32, #tpu.memory_space<hbm>>
        tpu.enqueue_dma source(%dma_start3A_123 : memref<2x128xi32, #tpu.memory_space<hbm>>) target(%arg7 : memref<2x128xi32, #tpu.memory_space<vmem>>) target_semaphore(%arg10 : memref<!tpu.dma_semaphore, #tpu.memory_space<semaphore_mem>>)
      } else {
      }
    }
    %scan3A_47 = arith.constant 40 : i32
    %barrier3A_48 = arith.constant 0 : index
    tpu.barrier barrier_id(%barrier3A_48)
    %mul3A_49 = arith.constant 640 : i32
    %mul3A_50 = arith.muli %arg1, %mul3A_49 : i32
    %mul3A_51 = arith.constant 640 : i32
    %mul3A_52 = arith.muli %arg1, %mul3A_51 : i32
    "tpu.region"() ({
      %run_scoped3A = tpu.sem_alloc : memref<!tpu.dma_semaphore, #tpu.memory_space<semaphore_mem>>
      %dma_start3A_53 = arith.constant 0 : i32
      %dma_start3A_54 = tpu.memref_slice %arg4[%arg0, %mul3A_52, %dma_start3A_53] : memref<2x10240x128xf32, #tpu.memory_space<hbm>> -> memref<1x640x128xf32, #tpu.memory_space<hbm>>
      %dma_start3A_55 = tpu.memref_squeeze %dma_start3A_54 : memref<1x640x128xf32, #tpu.memory_space<hbm>> -> memref<640x128xf32, #tpu.memory_space<hbm>>
      %dma_start3A_56 = arith.constant 0 : i32
      %dma_start3A_57 = tpu.memref_slice %arg9[%mul3A_50, %dma_start3A_56] : memref<10240x128xf32, #tpu.memory_space<vmem_shared>> -> memref<640x128xf32, #tpu.memory_space<vmem_shared>>
      tpu.enqueue_dma source(%dma_start3A_57 : memref<640x128xf32, #tpu.memory_space<vmem_shared>>) target(%dma_start3A_55 : memref<640x128xf32, #tpu.memory_space<hbm>>) target_semaphore(%run_scoped3A : memref<!tpu.dma_semaphore, #tpu.memory_space<semaphore_mem>>)
      %dma_wait3A = arith.constant 0 : i32
      %dma_wait3A_58 = tpu.memref_slice %arg4[%arg0, %mul3A_52, %dma_wait3A] : memref<2x10240x128xf32, #tpu.memory_space<hbm>> -> memref<1x640x128xf32, #tpu.memory_space<hbm>>
      %dma_wait3A_59 = tpu.memref_squeeze %dma_wait3A_58 : memref<1x640x128xf32, #tpu.memory_space<hbm>> -> memref<640x128xf32, #tpu.memory_space<hbm>>
      %dma_wait3A_60 = arith.constant 0 : i32
      %dma_wait3A_61 = tpu.memref_slice %arg9[%mul3A_50, %dma_wait3A_60] : memref<10240x128xf32, #tpu.memory_space<vmem_shared>> -> memref<640x128xf32, #tpu.memory_space<vmem_shared>>
      tpu.wait_dma2 semaphore(%run_scoped3A : memref<!tpu.dma_semaphore, #tpu.memory_space<semaphore_mem>>) src(%dma_wait3A_61 : memref<640x128xf32, #tpu.memory_space<vmem_shared>>) dst(%dma_wait3A_59 : memref<640x128xf32, #tpu.memory_space<hbm>>)
      tpu.yield
    }) : () -> ()
    return
  }
}

module attributes {stable_mosaic.version = 14 : i64} {
  func.func @_lstm_body(%arg0: i32, %arg1: memref<2x1000x128xf32, #tpu.memory_space<vmem>>, %arg2: memref<1000x128xf32, #tpu.memory_space<vmem>>, %arg3: memref<1000x128xf32, #tpu.memory_space<vmem>>, %arg4: memref<512x128xf32, #tpu.memory_space<vmem>>, %arg5: memref<512x128xf32, #tpu.memory_space<vmem>>, %arg6: memref<1x512xf32, #tpu.memory_space<vmem>>, %arg7: memref<1000x128xf32, #tpu.memory_space<vmem>>, %arg8: memref<1000x128xf32, #tpu.memory_space<vmem>>) attributes {dimension_semantics = [#tpu.dimension_semantics<arbitrary>], iteration_bounds = array<i64: 10>, scalar_prefetch = 0 : i64, scratch_operands = 0 : i64, tpu.core_type = #tpu.core_type<tc>, window_params = [{transform_indices = @transform_0, window_bounds = array<i64: 2, 1000, 128>}, {transform_indices = @transform_1, window_bounds = array<i64: 1000, 128>}, {transform_indices = @transform_2, window_bounds = array<i64: 1000, 128>}, {pipeline_mode = #tpu.pipeline_mode<synchronous>, transform_indices = @transform_3, window_bounds = array<i64: 512, 128>}, {pipeline_mode = #tpu.pipeline_mode<synchronous>, transform_indices = @transform_4, window_bounds = array<i64: 512, 128>}, {pipeline_mode = #tpu.pipeline_mode<synchronous>, transform_indices = @transform_5, window_bounds = array<i64: 1, 512>}, {transform_indices = @transform_6, window_bounds = array<i64: 1000, 128>}, {transform_indices = @transform_7, window_bounds = array<i64: 1000, 128>}]} {
    %get3A = arith.constant 0 : index
    %get3A_0 = arith.constant 0 : index
    %get3A_1 = arith.constant 0 : index
    %get3A_2 = vector.load %arg1[%get3A, %get3A_0, %get3A_1] : memref<2x1000x128xf32, #tpu.memory_space<vmem>>, vector<1x1000x128xf32>
    %get3A_3 = vector.shape_cast %get3A_2 : vector<1x1000x128xf32> to vector<1000x128xf32>
    %get3A_4 = arith.constant 1 : index
    %get3A_5 = arith.constant 0 : index
    %get3A_6 = arith.constant 0 : index
    %get3A_7 = vector.load %arg1[%get3A_4, %get3A_5, %get3A_6] : memref<2x1000x128xf32, #tpu.memory_space<vmem>>, vector<1x1000x128xf32>
    %get3A_8 = vector.shape_cast %get3A_7 : vector<1x1000x128xf32> to vector<1000x128xf32>
    %add3A = arith.addf %get3A_3, %get3A_8 : vector<1000x128xf32>
    %get3A_9 = arith.constant 0 : index
    %get3A_10 = arith.constant 0 : index
    %get3A_11 = vector.load %arg2[%get3A_9, %get3A_10] : memref<1000x128xf32, #tpu.memory_space<vmem>>, vector<1000x128xf32>
    %get3A_12 = arith.constant 0 : index
    %get3A_13 = arith.constant 0 : index
    %get3A_14 = vector.load %arg4[%get3A_12, %get3A_13] : memref<512x128xf32, #tpu.memory_space<vmem>>, vector<512x128xf32>
    %dot_general3A = arith.constant dense<0.000000e+00> : vector<1000x512xf32>
    %dot_general3A_15 = tpu.matmul %add3A, %get3A_14, %dot_general3A {dimension_numbers = #tpu.dot_dimension_numbers<[1], [1], [0], [0], [0, 0, 1, 0], [], []>, transpose_lhs_hint = false} : vector<1000x128xf32>, vector<512x128xf32>, vector<1000x512xf32> -> vector<1000x512xf32>
    %get3A_16 = arith.constant 0 : index
    %get3A_17 = arith.constant 0 : index
    %get3A_18 = vector.load %arg5[%get3A_16, %get3A_17] : memref<512x128xf32, #tpu.memory_space<vmem>>, vector<512x128xf32>
    %dot_general3A_19 = arith.constant dense<0.000000e+00> : vector<1000x512xf32>
    %dot_general3A_20 = tpu.matmul %get3A_11, %get3A_18, %dot_general3A_19 {dimension_numbers = #tpu.dot_dimension_numbers<[1], [1], [0], [0], [0, 0, 1, 0], [], []>, transpose_lhs_hint = false} : vector<1000x128xf32>, vector<512x128xf32>, vector<1000x512xf32> -> vector<1000x512xf32>
    %add3A_21 = arith.addf %dot_general3A_15, %dot_general3A_20 : vector<1000x512xf32>
    %get3A_22 = arith.constant 0 : index
    %get3A_23 = arith.constant 0 : index
    %get3A_24 = vector.load %arg6[%get3A_22, %get3A_23] : memref<1x512xf32, #tpu.memory_space<vmem>>, vector<1x512xf32>
    %add3A_25 = vector.broadcast %get3A_24 : vector<1x512xf32> to vector<1000x512xf32>
    %add3A_26 = arith.addf %add3A_21, %add3A_25 : vector<1000x512xf32>
    %slice3A = vector.extract_strided_slice %add3A_26 {offsets = [0, 0], sizes = [1000, 128], strides = [1, 1]} : vector<1000x512xf32> to vector<1000x128xf32>
    %logistic3A = arith.negf %slice3A : vector<1000x128xf32>
    %logistic3A_27 = math.exp %logistic3A : vector<1000x128xf32>
    %logistic3A_28 = arith.constant 1.000000e+00 : f32
    %logistic3A_29 = vector.broadcast %logistic3A_28 : f32 to vector<1000x128xf32>
    %logistic3A_30 = arith.addf %logistic3A_29, %logistic3A_27 : vector<1000x128xf32>
    %logistic3A_31 = arith.divf %logistic3A_29, %logistic3A_30 : vector<1000x128xf32>
    %slice3A_32 = vector.extract_strided_slice %add3A_26 {offsets = [0, 128], sizes = [1000, 128], strides = [1, 1]} : vector<1000x512xf32> to vector<1000x128xf32>
    %logistic3A_33 = arith.negf %slice3A_32 : vector<1000x128xf32>
    %logistic3A_34 = math.exp %logistic3A_33 : vector<1000x128xf32>
    %logistic3A_35 = arith.constant 1.000000e+00 : f32
    %logistic3A_36 = vector.broadcast %logistic3A_35 : f32 to vector<1000x128xf32>
    %logistic3A_37 = arith.addf %logistic3A_36, %logistic3A_34 : vector<1000x128xf32>
    %logistic3A_38 = arith.divf %logistic3A_36, %logistic3A_37 : vector<1000x128xf32>
    %slice3A_39 = vector.extract_strided_slice %add3A_26 {offsets = [0, 256], sizes = [1000, 128], strides = [1, 1]} : vector<1000x512xf32> to vector<1000x128xf32>
    %tanh3A = math.tanh %slice3A_39 : vector<1000x128xf32>
    %slice3A_40 = vector.extract_strided_slice %add3A_26 {offsets = [0, 384], sizes = [1000, 128], strides = [1, 1]} : vector<1000x512xf32> to vector<1000x128xf32>
    %logistic3A_41 = arith.negf %slice3A_40 : vector<1000x128xf32>
    %logistic3A_42 = math.exp %logistic3A_41 : vector<1000x128xf32>
    %logistic3A_43 = arith.constant 1.000000e+00 : f32
    %logistic3A_44 = vector.broadcast %logistic3A_43 : f32 to vector<1000x128xf32>
    %logistic3A_45 = arith.addf %logistic3A_44, %logistic3A_42 : vector<1000x128xf32>
    %logistic3A_46 = arith.divf %logistic3A_44, %logistic3A_45 : vector<1000x128xf32>
    %get3A_47 = arith.constant 0 : index
    %get3A_48 = arith.constant 0 : index
    %get3A_49 = vector.load %arg3[%get3A_47, %get3A_48] : memref<1000x128xf32, #tpu.memory_space<vmem>>, vector<1000x128xf32>
    %mul3A = arith.mulf %logistic3A_38, %get3A_49 : vector<1000x128xf32>
    %mul3A_50 = arith.mulf %logistic3A_31, %tanh3A : vector<1000x128xf32>
    %add3A_51 = arith.addf %mul3A, %mul3A_50 : vector<1000x128xf32>
    %tanh3A_52 = math.tanh %add3A_51 : vector<1000x128xf32>
    %mul3A_53 = arith.mulf %logistic3A_46, %tanh3A_52 : vector<1000x128xf32>
    %swap3A = arith.constant 0 : index
    %swap3A_54 = arith.constant 0 : index
    %swap3A_55 = vector.load %arg7[%swap3A, %swap3A_54] : memref<1000x128xf32, #tpu.memory_space<vmem>>, vector<1000x128xf32>
    tpu.vector_store %arg7[%swap3A, %swap3A_54], %mul3A_53 {strides = array<i32>} : memref<1000x128xf32, #tpu.memory_space<vmem>>, vector<1000x128xf32>,
    %swap3A_56 = arith.constant 0 : index
    %swap3A_57 = arith.constant 0 : index
    %swap3A_58 = vector.load %arg8[%swap3A_56, %swap3A_57] : memref<1000x128xf32, #tpu.memory_space<vmem>>, vector<1000x128xf32>
    tpu.vector_store %arg8[%swap3A_56, %swap3A_57], %add3A_51 {strides = array<i32>} : memref<1000x128xf32, #tpu.memory_space<vmem>>, vector<1000x128xf32>,
    return
  }
  func.func @transform_0(%arg0: i32) -> (i32, i32, i32) {
    %c0_i32 = arith.constant 0 : i32
    %c0_i32_0 = arith.constant 0 : i32
    %c0_i32_1 = arith.constant 0 : i32
    return %c0_i32, %arg0, %c0_i32_0 : i32, i32, i32
  }
  func.func @transform_1(%arg0: i32) -> (i32, i32) {
    %c0_i32 = arith.constant 0 : i32
    %c0_i32_0 = arith.constant 0 : i32
    return %arg0, %c0_i32 : i32, i32
  }
  func.func @transform_2(%arg0: i32) -> (i32, i32) {
    %c0_i32 = arith.constant 0 : i32
    %c0_i32_0 = arith.constant 0 : i32
    return %arg0, %c0_i32 : i32, i32
  }
  func.func @transform_3(%arg0: i32) -> (i32, i32) {
    %c0_i32 = arith.constant 0 : i32
    %c0_i32_0 = arith.constant 0 : i32
    %c0_i32_1 = arith.constant 0 : i32
    return %c0_i32, %c0_i32_0 : i32, i32
  }
  func.func @transform_4(%arg0: i32) -> (i32, i32) {
    %c0_i32 = arith.constant 0 : i32
    %c0_i32_0 = arith.constant 0 : i32
    %c0_i32_1 = arith.constant 0 : i32
    return %c0_i32, %c0_i32_0 : i32, i32
  }
  func.func @transform_5(%arg0: i32) -> (i32, i32) {
    %c0_i32 = arith.constant 0 : i32
    %c0_i32_0 = arith.constant 0 : i32
    %c0_i32_1 = arith.constant 0 : i32
    return %c0_i32, %c0_i32_0 : i32, i32
  }
  func.func @transform_6(%arg0: i32) -> (i32, i32) {
    %c0_i32 = arith.constant 0 : i32
    %c0_i32_0 = arith.constant 0 : i32
    return %arg0, %c0_i32 : i32, i32
  }
  func.func @transform_7(%arg0: i32) -> (i32, i32) {
    %c0_i32 = arith.constant 0 : i32
    %c0_i32_0 = arith.constant 0 : i32
    return %arg0, %c0_i32 : i32, i32
  }
}

</mosaic_0001>

<sc_bundles>
// kernel: kernel.4.cloned.1.call-start
scs
__scs_entry_jumppad:
0x0: {  	(pc) =	sbr.rel $0x88, $3  }
0x1: {  	(tag) =	ssettag $0x0;
	lr =	simm.s32 $0x1  }
0x2: {  	[smem:$0x3F99] =	sst lr;
	_ =	strace $0xD0000000  }
0x3: {  	_ = 	snop  }
0x4: {  	_ = 	snop  }
0x5: {  	_ = 	snop  }
0x6: {  	_ = 	snop  }
0x7: {  	_ = 	snop  }
__scs_overlays_trampoline_lowered:
0x8: {  	[smem:$0x3FA8] =	sst s0  }
0x9: {  	[smem:$0x3FA9] =	sst s1  }
0xa: {  	[smem:$0x3FAA] =	sst s2  }
0xb: {  	[smem:$0x3FAB] =	sst s3  }
0xc: {  	[smem:$0x3FAC] =	sst s4  }
0xd: {  	[smem:$0x3FAD] =	sst s5  }
0xe: {  	[smem:$0x3FAE] =	sst s6  }
0xf: {  	[smem:$0x3FAF] =	sst s7  }
0x10: {  	[smem:$0x3FB0] =	sst s8  }
0x11: {  	[smem:$0x3FB1] =	sst s9;
	s0 =	simm.s32 @!p0 $0x0  }
0x12: {  	s1 =	sld [smem:$0x3F97];
	s0 =	simm.s32 @p0 $0x1  }
0x13: {  	[smem:$0x3FB2] =	sst s0;
	s0 =	simm.s32 @!p1 $0x0  }
0x14: {  	s2 =	sld [smem:$0x3F96];
	s0 =	simm.s32 @p1 $0x1  }
0x15: {  	[smem:$0x3FB3] =	sst s0;
	s0 =	simm.s32 @!p2 $0x0  }
0x16: {  	s3 =	sld [smem:$0x3FDB];
	s0 =	simm.s32 @p2 $0x1  }
0x17: {  	s4 =	simm.s32 $0x1BF5;
	[smem:$0x3FB5] =	sst s0  }
0x18: {  	s0 =	sld [smem:$0x3F98];
	_ =	swait.ge [sflag:s4], $0x0  }
0x19: {  	s7 =	sld [smem:$0x3F99]  }
0x1a: {  	s8 =	sadd.s32 $0xFFFFE003, lr  }
0x1b: {  	s9 =	sadd.s32 $0xFFFFFEF7, lr;
	s5 =	simm.s32 $0xFFFFFFFF;
	p2 =	slt.u32 s8, $0xFFFFF086  }
0x1c: {  	p1 =	slt.u32 s9, $0xF7A;
	s5 =	simm.s32 @!p2 $0x0  }
0x1d: {  	s5 =	simm.s32 @p1 $0x1;
	p0 =	seq.s32 s7, s2  }
0x1e: {  	s7 =	smul.u32 @!p0 $0xF7A, s2;
	p2 =	seq.s32 @!p0 s5, $0x0  }
0x1f: {  	s9 =	smul.u32 $0xF7A, s1;
	s8 =	simm.s32 @!p0 $0x1BF5;
	p2 =	por !p2, p0  }
0x20: {  	[sflag:s8] =	ssyncset.s32 @!p0 $0xFFFFF086;
	s6 =	sadd.s32 @!p0 s3, s7;
	s7 =	simm.s32 @!p0 $0x108  }
0x21: {  	s3 =	sadd.s32 s3, s9;
	s6 =	sadd.s32 @!p0 $0x88, s6;
	s7 =	simm.s32 @p2 $0x1082  }
0x22: {  	[simem:s7], [sflag:s8] =	dma.local @!p0 [hbm:s6], $0xF7A  }
0x23: {  	s9 =	sor.u32 $0xD0000000, s2;
	s6 =	simm.s32 $0x108;
	_ =	swait.ge @!p0 [sflag:s8], $0x0  }
0x24: {  	s3 =	sadd.s32 $0x88, s3;
	s6 =	simm.s32 @!p1 $0x1082;
	[sflag:s4] =	ssyncset.s32 $0xFFFFF086  }
0x25: {  	[simem:s6], [sflag:s4] =	dma.local [hbm:s3], $0xF7A  }
0x26: {  	[smem:$0x3F99] =	sst s1;
	(tag) =	ssettag s2;
	_ =	strace s9  }
0x27: {  	s1 =	sld [smem:$0x3FA9]  }
0x28: {  	s2 =	sld [smem:$0x3FAA]  }
0x29: {  	s4 =	sld [smem:$0x3FAC]  }
0x2a: {  	p0 =	seq.s32 s5, $0x0;
	s5 =	sld [smem:$0x3FAD]  }
0x2b: {  	s6 =	sld [smem:$0x3FAE]  }
0x2c: {  	s7 =	sld [smem:$0x3FAF]  }
0x2d: {  	s3 =	simm.s32 $0x108;
	s8 =	sld [smem:$0x3FB0]  }
0x2e: {  	s3 =	simm.s32 @!p0 $0x1082;
	s9 =	sld [smem:$0x3FB1]  }
0x2f: {  	lr =	sadd.s32 s0, s3;
	s0 =	sld [smem:$0x3FA8]  }
0x30: {  	s3 =	sld [smem:$0x3FAB]  }
0x31: {  	[smem:$0x3FB4] =	sst s10  }
0x32: {  	s10 =	sld [smem:$0x3FB2];
	_ =	sdelay $0x3  }
0x33: {  	p0 =	seq.s32 s10, $0x1;
	s10 =	sld [smem:$0x3FB4];
	_ =	sdelay $0x3  }
0x34: {  	[smem:$0x3FB4] =	sst s10  }
0x35: {  	s10 =	sld [smem:$0x3FB3];
	_ =	sdelay $0x3  }
0x36: {  	p1 =	seq.s32 s10, $0x1;
	s10 =	sld [smem:$0x3FB4];
	_ =	sdelay $0x3  }
0x37: {  	[smem:$0x3FB4] =	sst s10  }
0x38: {  	s10 =	sld [smem:$0x3FB5]  }
0x39: {  	_ = 	snop;
	(pc) =	sbr.ind lr, $3  }
0x3a: {  	_ = 	snop  }
0x3b: {  	_ = 	snop  }
0x3c: {  	p2 =	seq.s32 s10, $0x1;
	s10 =	sld [smem:$0x3FB4]  }
0x3d: {  	_ =	shalt  }
0x3e: {  	_ =	shalt  }
0x3f: {  	_ =	shalt  }
0x40: {  	_ =	shalt  }
0x41: {  	_ =	shalt  }
0x42: {  	_ =	shalt  }
0x43: {  	_ =	shalt  }
0x44: {  	_ =	shalt  }
0x45: {  	_ =	shalt  }
0x46: {  	_ =	shalt  }
0x47: {  	_ =	shalt  }
0x48: {  	_ =	shalt  }
0x49: {  	_ =	shalt  }
0x4a: {  	_ =	shalt  }
0x4b: {  	_ =	shalt  }
0x4c: {  	_ =	shalt  }
0x4d: {  	_ =	shalt  }
0x4e: {  	_ =	shalt  }
0x4f: {  	_ =	shalt  }
0x50: {  	_ =	shalt  }
0x51: {  	_ =	shalt  }
0x52: {  	_ =	shalt  }
0x53: {  	_ =	shalt  }
0x54: {  	_ =	shalt  }
0x55: {  	_ =	shalt  }
0x56: {  	_ =	shalt  }
0x57: {  	_ =	shalt  }
0x58: {  	_ =	shalt  }
0x59: {  	_ =	shalt  }
0x5a: {  	_ =	shalt  }
0x5b: {  	_ =	shalt  }
0x5c: {  	_ =	shalt  }
0x5d: {  	_ =	shalt  }
0x5e: {  	_ =	shalt  }
0x5f: {  	_ =	shalt  }
0x60: {  	_ =	shalt  }
0x61: {  	_ =	shalt  }
0x62: {  	_ =	shalt  }
0x63: {  	_ =	shalt  }
0x64: {  	_ =	shalt  }
0x65: {  	_ =	shalt  }
0x66: {  	_ =	shalt  }
0x67: {  	_ =	shalt  }
0x68: {  	_ =	shalt  }
0x69: {  	_ =	shalt  }
0x6a: {  	_ =	shalt  }
0x6b: {  	_ =	shalt  }
0x6c: {  	_ =	shalt  }
0x6d: {  	_ =	shalt  }
0x6e: {  	_ =	shalt  }
0x6f: {  	_ =	shalt  }
0x70: {  	_ =	shalt  }
0x71: {  	_ =	shalt  }
0x72: {  	_ =	shalt  }
0x73: {  	_ =	shalt  }
0x74: {  	_ =	shalt  }
0x75: {  	_ =	shalt  }
0x76: {  	_ =	shalt  }
0x77: {  	_ =	shalt  }
0x78: {  	_ =	shalt  }
0x79: {  	_ =	shalt  }
0x7a: {  	_ =	shalt  }
0x7b: {  	_ =	shalt  }
0x7c: {  	_ =	shalt  }
0x7d: {  	_ =	shalt  }
0x7e: {  	_ =	shalt  }
0x7f: {  	_ =	shalt  }
0x80: {  	_ =	shalt  }
0x81: {  	_ =	shalt  }
0x82: {  	_ =	shalt  }
0x83: {  	_ =	shalt  }
0x84: {  	_ =	shalt  }
0x85: {  	_ =	shalt  }
0x86: {  	_ =	shalt  }
0x87: {  	_ =	shalt  }
.Lfunc_end0:
.L_simem_size_0:
called_computation_lowered:
.L_overlay_start_0:
0x88: {  	s2 =	sld [smem:$0x3FD9]  }
0x89: {  	s3 =	sld [smem:$0x3FFE];
	_ =	sdelay $0x1  }
0x8a: {  	s1 =	srdreg.scid  }
0x8b: {  	s0 =	sand.u32 $0x1, s1  }
0x8c: {  	s17 =	sshll.u32 s0, $0xA;
	s2 =	sadd.s32 s3, s2  }
0x8d: {  	s2 =	sadd.s32 s2, s17  }
0x8e: {  	[smem:$0x3FC0] =	sst s2  }
0x8f: {  	_ = 	snop  }
0x90: {  	s2 =	sld [smem:$0x3FC9]  }
0x91: {  	s18 =	sld [smem:$0x3FC8];
	(tm) =	ssettm $0x1  }
0x92: {  	s4 =	sld [smem:$0x3FFB];
	_ =	sdelay $0x3  }
0x93: {  	_ =	strace s4  }
0x94: {  	s4 =	sld [smem:$0x3FFC];
	_ =	sdelay $0x3  }
0x95: {  	_ =	strace s4  }
0x96: {  	s4 =	sld [smem:$0x3FFD];
	_ =	sdelay $0x3  }
0x97: {  	_ =	strace s4  }
0x98: {  	_ =	strace $0x8FFFFFFF  }
0x99: {  	s19 =	sld [smem:$0x3FDB];
	_ =	sdelay $0x1  }
0x9a: {  	s5 =	simm.s32 $_scs_section_size  }
0x9b: {  	s6 =	simm.s32 $_size__tile_overlayer_lowered;
	s7 =	simm.s32 $_tile_overlayer_lowered  }
0x9c: {  	s22 =	simm.s32 $0x1BFF;
	s21 =	sshll.u32 s7, $0x1;
	s4 =	sadd.s32 s5, s19  }
0x9d: {  	s8 =	simm.s32 $0x0;
	s20 =	sshll.u32 s6, $0x1;
	s6 =	sadd.s32 s21, s4  }
0x9e: {  	[timem:s8], [sflag:s22] =	dma.local [hbm:s6], s20  }
0x9f: {  	_ =	swait.ge [sflag:s22], s20  }
0xa0: {  	s5 =	ssub.s32 $0x0, s20;
	[sflag:s22] =	ssyncset.done $0x0  }
0xa1: {  	[sflag:s22] =	ssyncadd.s32 s5;
	_ =	sdelay $0x1  }
0xa2: {  	s23 =	simm.s32 $0x1B8B  }
0xa3: {  	_ =	swait.ge [sflag:s23], $0x1  }
0xa4: {  	[sflag:s23] =	ssyncset.done $0x0  }
0xa5: {  	s25 =	simm.s32 $0x1B8E;
	s24 =	sld [smem:$0x3FFE];
	[sflag:s23] =	ssyncadd.s32 $0xFFFFFFFF  }
0xa6: {  	s26 =	simm.s32 $execute0_lowered;
	[smem:$0x3FD2] =	sst s25  }
0xa7: {  	s6 =	sshll.u32 s26, $0x1;
	_ =	strace $0x80000046;
	[dreg:$0x1] =	wrdreg $0xFFFFFFFF  }
0xa8: {  	s28 =	simm.s32 $_size_execute0_lowered;
	s4 =	sadd.s32 s4, s6;
	[dreg:$0x0] =	wrdreg $0x0  }
0xa9: {  	s6 =	sshll.u32 s28, $0x1;
	[dreg:$0x2] =	wrdreg s4  }
0xaa: {  	[dreg:$0x3] =	wrdreg s6  }
0xab: {  	[dreg:$0x4] =	wrdreg $0xC0  }
0xac: {  	_ =	task [dreg:s8], $0x5FFFF  }
0xad: {  	[dreg:$0x1] =	wrdreg $0xFFFFFFFF  }
0xae: {  	[dreg:$0x0] =	wrdreg $0x60  }
0xaf: {  	[dreg:$0x2] =	wrdreg s2  }
0xb0: {  	[dreg:$0x3] =	wrdreg s18  }
0xb1: {  	[dreg:$0x4] =	wrdreg s24  }
0xb2: {  	[dreg:$0x5] =	wrdreg $0x82000  }
0xb3: {  	[dreg:$0x6] =	wrdreg $0x9  }
0xb4: {  	_ =	task.clear_ibuf [dreg:s8], $0x7FFFF;
	_ =	strace $0x90000046  }
0xb5: {  	s29 =	simm.s32 $0x9;
	_ =	strace $0x80000048  }
0xb6: {  	_ =	swait.ge [sflag:s29], $0x1  }
0xb7: {  	[sflag:s29] =	ssyncadd.s32 $0xFFFFFFFF  }
0xb8: {  	_ =	strace $0x90000048  }
0xb9: {  	_ =	sfence  }
0xba: {  	s30 =	sld [smem:$0x0];
	_ =	sdelay $0x2  }
0xbb: {  	s31 =	sshll.u32 s1, $0xD;
	s1 =	sshrl.u32 s1, $0x2  }
0xbc: {  	s3 =	sand.u32 $0x4000, s31;
	s1 =	sadd.s32 s1, s30  }
0xbd: {  	s0 =	sor.u32 s3, s0;
	s1 =	sshll.u32 s1, $0x11  }
0xbe: {  	s0 =	sor.u32 s1, s0  }
0xbf: {  	s0 =	sadd.s32 $0x8F2B, s0  }
0xc0: {  	[sflag:s0] =	ssyncadd.remote.s32 $0x1  }
0xc1: {  	_ =	sfence.sel $0xFFFF  }
0xc2: {  	[dreg:$0x0] =	wrdreg $0xFFFFFFFF;
	(pc) =	sbr.abs _section_cstart, $3  }
0xc3: {  	[dreg:$0x1] =	wrdreg $0xFFFFFFFF  }
0xc4: {  	_ =	task.clear_ibuf [dreg:s8], $0x2FFFF;
	_ =	strace $0x9FFFFFFF  }
0xc5: {  	(tm) =	ssettm $0x7FFFFFFF  }
tec
execute0_lowered:
.L_overlay_start_1:
0x0: {  	(tag) =	ssettag $0x1  }
0x1: {  	s0 =	rddreg [dreg:$0x0]  }
0x2: {  	s1 =	rddreg [dreg:$0x1]  }
0x3: {  	s2 =	srdreg.scid;
	s4 =	rddreg [dreg:$0x2]  }
0x4: {  	s14 =	stileid.u32;
	s3 =	simm.s32 $0x0;
	s16 =	simm.s32 $0x8000  }
0x5: {  	s17 =	simm.s32 $0x4000;
	s18 =	simm.s32 $0x5;
	s19 =	simm.s32 $0x1  }
0x6: {  	s20 =	simm.s32 $0x80;
	s21 =	simm.s32 $0x8080;
	s28 =	simm.s32 $0x0  }
0x7: {  	s6 =	sand.u32 $0x1, s2;
	s2 =	rddreg [dreg:$0x3];
	s7 =	smul.u32 $0x14000, s14  }
0x8: {  	[smem:$0x7FF] =	sst s3;
	s9 =	smul.u32 $0x50000, s14;
	s30 =	sshll.u32 s14, $0xB  }
0x9: {  	s31 =	sshll.u32 s14, $0x5;
	s5 =	smul.u32 $0x140000, s6;
	_ =	strace $0x80000047  }
0xa: {  	s22 =	ssub.s32 $0x2, s6;
	s8 =	sshll.u32 s6, $0x4;
	s13 =	sshll.u32 s6, $0xF  }
0xb: {  	s6 =	sshll.u32 s6, $0x9;
	s23 =	sshrl.u32 s22, $0x1;
	s15 =	sor.u32 s14, s8  }
0xc: {  	s25 =	sshrl.u32 s9, $0x2;
	s5 =	sadd.s32 s7, s5;
	s12 =	ssub.s32 s22, s23  }
0xd: {  	s24 =	sshll.u32 s15, $0xB;
	s8 =	sshll.u32 s15, $0x5;
	s29 =	sor.u32 $0x9C0, s15  }
0xe: {  	s22 =	simm.s32 $0x8100;
	s23 =	simm.s32 $0x2;
	s5 =	sshrl.u32 s5, $0x3  }
0xf: {  	s26 =	sadd.s32 s1, s8;
	s12 =	smax.u32 s12, $0x1;
	s1 =	sadd.s32 s6, s1  }
0x10: {  	p0 =	sgt.u32 s29, $0x9C3;
	s4 =	sadd.s32 s5, s4;
	s5 =	sadd.s32 s0, s24  }
0x11: {  	[dreg:$0x6] =	wrdreg s26;
	s0 =	sadd.s32 s13, s0;
	s13 =	sadd.s32 s31, s1  }
0x12: {  	s24 =	simm.s32 $0x8180;
	s26 =	simm.s32 $0x4;
	[dreg:$0x5] =	wrdreg s5  }
0x13: {  	s5 =	sadd.s32 s25, s2;
	s11 =	sadd.s32 $0x1200, s4;
	s0 =	sadd.s32 s30, s0  }
0x14: {  	s25 =	sor.u32 $0x9E0, s15;
	s15 =	sor.u32 $0x20, s15;
	s7 =	sadd.s32 $0x4000, s5  }
0x15: {  	s8 =	sadd.s32 $0x8000, s5;
	s9 =	sadd.s32 $0xC000, s5;
	s10 =	sadd.s32 $0x10000, s5  }
0x16: {  	v0 =	vimm.f32 $0.0e+00;
	s14 =	sadd.s32 $0x20000, s0;
	p1 =	sgt.u32 s25, $0x9E3;
	s25 =	simm.s32 $0x3  }
.LBB2_1:
0x17: {  	s0 =	rddreg [dreg:$0x5];
	s31 =	sand.u32 $0xFE00, s3  }
0x18: {  	[tilespmem:s3], [sflag:$0x1] =	stream.linear.gather [hbm4b:s0+s3], $0x4000, $0x38;
	[tilespmem:$0x1C200] =	vst v63  }
0x19: {  	s30 =	rddreg [dreg:$0x6];
	s1 =	sand.u32 $0x70, s3;
	s4 =	sshrl.u32 s31, $0x2  }
0x1a: {  	s0 =	simm.s32 $0x40;
	s4 =	sor.u32 s1, s4;
	s1 =	simm.s32 $0x0  }
0x1b: {  	[tilespmem:s16], [sflag:$0x1] =	stream.linear.gather [hbm4b:s30+s3], $0x100, $0x38;
	[tilespmem:$0x1C200] =	vst v63  }
.LBB2_2:
0x1c: {  	p2 =	sne.s32 s0, $0xFFC0  }
0x1d: {  	[tilespmem:s4+$0x4000] =	vst v0;
	s1 =	sadd.s32 $0x10, s1;
	s4 =	smov.u32 s0;
	s0 =	sadd.s32 $0x40, s0  }
.Ltmp0:
0x1e: {  	(pc) =	sbr.rel @p2 .LBB2_2-.Ltmp0, $4  }
0x1f: {  	_ = 	snop  }
0x20: {  	s4 =	sand.u32 $0xFE00, s4  }
0x21: {  	s6 =	sand.u32 $0x70, s1;
	s4 =	sshrl.u32 s4, $0x2  }
0x22: {  	s4 =	sor.u32 s6, s4  }
0x23: {  	[tilespmem:s4+$0x4000] =	vst v0  }
0x24: {  	[spmem:s5] =	stream.linear.scatter [tilespmem:s17], [sflag:$0x5], $0x4000, $0x38;
	[tilespmem:$0x1C200] =	vst v63  }
0x25: {  	_ =	swait.ge [sflag:s18], $0x4000  }
0x26: {  	[sflag:s18] =	ssyncset.done $0x0  }
0x27: {  	[sflag:s18] =	ssyncadd.s32 $0xFFFFC000  }
0x28: {  	[spmem:s7] =	stream.linear.scatter [tilespmem:s17], [sflag:$0x5], $0x4000, $0x38;
	[tilespmem:$0x1C200] =	vst v63  }
0x29: {  	_ =	swait.ge [sflag:s18], $0x4000  }
0x2a: {  	[sflag:s18] =	ssyncset.done $0x0  }
0x2b: {  	[sflag:s18] =	ssyncadd.s32 $0xFFFFC000  }
0x2c: {  	[spmem:s8] =	stream.linear.scatter [tilespmem:s17], [sflag:$0x5], $0x4000, $0x38;
	[tilespmem:$0x1C200] =	vst v63  }
0x2d: {  	_ =	swait.ge [sflag:s18], $0x4000  }
0x2e: {  	[sflag:s18] =	ssyncset.done $0x0  }
0x2f: {  	[sflag:s18] =	ssyncadd.s32 $0xFFFFC000  }
0x30: {  	[spmem:s9] =	stream.linear.scatter [tilespmem:s17], [sflag:$0x5], $0x4000, $0x38;
	[tilespmem:$0x1C200] =	vst v63  }
0x31: {  	_ =	swait.ge [sflag:s18], $0x4000  }
0x32: {  	[sflag:s18] =	ssyncset.done $0x0  }
0x33: {  	[sflag:s18] =	ssyncadd.s32 $0xFFFFC000  }
0x34: {  	[spmem:s10] =	stream.linear.scatter [tilespmem:s17], [sflag:$0x5], $0x4000, $0x38;
	[tilespmem:$0x1C200] =	vst v63  }
0x35: {  	_ =	swait.ge [sflag:s18], $0x4000  }
0x36: {  	[sflag:s18] =	ssyncset.done $0x0  }
0x37: {  	[sflag:s18] =	ssyncadd.s32 $0xFFFFC000  }
0x38: {  	[bflag:$0x0] =	sbarrier.arrive $0xFFFF  }
0x39: {  	_ =	swait.ge [sflag:s19], $0x4000  }
0x3a: {  	[sflag:s19] =	ssyncset.done $0x0  }
0x3b: {  	[sflag:s19] =	ssyncadd.s32 $0xFFFFC000  }
0x3c: {  	_ =	swait.ge [sflag:s19], $0x100  }
0x3d: {  	s0 =	sadd.s32 $0xFFFFFFC0, s15;
	[sflag:s19] =	ssyncset.done $0x0  }
0x3e: {  	p2 =	sgt.u32 s0, $0x9C3;
	[sflag:s19] =	ssyncadd.s32 $0xFFFFFF00  }
0x3f: {  	[spmem:s2] =	stream.indirect.scatter.add.f32 [tilespmem:s3], [sflag:$0x3], $0x80, s16, s20, $0xb8;
	[tilespmem:$0x1C200] =	vst v63  }
0x40: {  	s0 =	simm.s32 @!p2 $0x4  }
0x41: {  	[spmem:s2] =	stream.indirect.scatter.add.f32 [tilespmem:s3], [sflag:$0x3], $0x80, s21, s20, $0xb8;
	[tilespmem:$0x1C200] =	vst v63  }
0x42: {  	_ =	swait.ge @!p2 [sflag:s0], $0x4000  }
0x43: {  	[sflag:s0] =	ssyncset.done @!p2 $0x0  }
0x44: {  	[sflag:s0] =	ssyncadd.s32 @!p2 $0xFFFFC000  }
0x45: {  	_ =	swait.ge @!p2 [sflag:s0], $0x4000  }
0x46: {  	[sflag:s0] =	ssyncset.done @!p2 $0x0  }
0x47: {  	s1 =	sadd.s32 $0xFFFF0000, s14;
	s6 =	sadd.s32 $0x0, s13;
	[sflag:s0] =	ssyncadd.s32 @!p2 $0xFFFFC000  }
0x48: {  	[tilespmem:s17], [sflag:$0x2] =	stream.linear.gather [hbm4b:s1+s3], $0x4000, $0x38;
	[tilespmem:$0x1C200] =	vst v63  }
0x49: {  	s0 =	sadd.s32 $0x400, s6  }
0x4a: {  	[tilespmem:s22], [sflag:$0x2] =	stream.linear.gather [hbm4b:s0+s3], $0x100, $0x38;
	[tilespmem:$0x1C200] =	vst v63  }
0x4b: {  	_ =	swait.ge [sflag:s23], $0x4000  }
0x4c: {  	[sflag:s23] =	ssyncset.done $0x0  }
0x4d: {  	[sflag:s23] =	ssyncadd.s32 $0xFFFFC000  }
0x4e: {  	_ =	swait.ge [sflag:s23], $0x100  }
0x4f: {  	[sflag:s23] =	ssyncset.done $0x0  }
0x50: {  	[sflag:s23] =	ssyncadd.s32 $0xFFFFFF00  }
0x51: {  	[spmem:s2] =	stream.indirect.scatter.add.f32 [tilespmem:s17], [sflag:$0x4], $0x80, s22, s20, $0xb8;
	[tilespmem:$0x1C200] =	vst v63  }
0x52: {  	_ = 	snop  }
0x53: {  	[spmem:s2] =	stream.indirect.scatter.add.f32 [tilespmem:s17], [sflag:$0x4], $0x80, s24, s20, $0xb8;
	[tilespmem:$0x1C200] =	vst v63  }
0x54: {  	_ =	swait.ge [sflag:s25], $0x4000  }
0x55: {  	[sflag:s25] =	ssyncset.done $0x0  }
0x56: {  	p3 =	sgt.u32 s15, $0x9A3;
	s29 =	simm.s32 $0x800;
	[sflag:s25] =	ssyncadd.s32 $0xFFFFC000  }
0x57: {  	s30 =	smov.u32 s14;
	s31 =	smov.u32 s15;
	_ =	swait.ge [sflag:s25], $0x4000  }
0x58: {  	s6 =	simm.s32 @!p3 $0x8000;
	s1 =	sadd.s32 @!p3 $0x0, s13;
	[sflag:s25] =	ssyncset.done $0x0  }
0x59: {  	s4 =	sadd.s32 @!p3 $0x800, s1;
	s0 =	simm.s32 @!p3 $0x0;
	[sflag:s25] =	ssyncadd.s32 $0xFFFFC000  }
0x5a: {  	[tilespmem:s0], [sflag:$0x1] =	stream.linear.gather @!p3 [hbm4b:s14+s0], $0x4000, $0x38;
	[tilespmem:$0x1C200] =	vst v63  }
.LBB2_4:
0x5b: {  	s30 =	sadd.s32 $0x20000, s30  }
0x5c: {  	s31 =	sadd.s32 $0x40, s31;
	s1 =	smov.u32 s29;
	s29 =	sadd.s32 $0x800, s29  }
0x5d: {  	[tilespmem:s6], [sflag:$0x1] =	stream.linear.gather @!p3 [hbm4b:s4+s0], $0x100, $0x38;
	[tilespmem:$0x1C200] =	vst v63  }
0x5e: {  	p2 =	sne.s32 s29, $0x13800;
	_ =	swait.ge [sflag:s19], $0x4000  }
0x5f: {  	[sflag:s19] =	ssyncset.done $0x0  }
0x60: {  	[sflag:s19] =	ssyncadd.s32 $0xFFFFC000  }
0x61: {  	_ =	swait.ge [sflag:s19], $0x100  }
0x62: {  	[sflag:s19] =	ssyncset.done $0x0  }
0x63: {  	s0 =	sadd.s32 $0xFFFFFFC0, s31;
	[sflag:s19] =	ssyncadd.s32 $0xFFFFFF00  }
0x64: {  	[spmem:s2] =	stream.indirect.scatter.add.f32 [tilespmem:s3], [sflag:$0x3], $0x80, s16, s20, $0xb8;
	[tilespmem:$0x1C200] =	vst v63  }
0x65: {  	p3 =	sgt.u32 s0, $0x9C3  }
0x66: {  	[spmem:s2] =	stream.indirect.scatter.add.f32 [tilespmem:s3], [sflag:$0x3], $0x80, s21, s20, $0xb8;
	[tilespmem:$0x1C200] =	vst v63  }
0x67: {  	s0 =	simm.s32 @!p3 $0x4  }
0x68: {  	_ =	swait.ge @!p3 [sflag:s0], $0x4000  }
0x69: {  	[sflag:s0] =	ssyncset.done @!p3 $0x0  }
0x6a: {  	[sflag:s0] =	ssyncadd.s32 @!p3 $0xFFFFC000  }
0x6b: {  	_ =	swait.ge @!p3 [sflag:s0], $0x4000  }
0x6c: {  	s4 =	sadd.s32 $0xFFFF0000, s30;
	[sflag:s0] =	ssyncset.done @!p3 $0x0  }
0x6d: {  	[sflag:s0] =	ssyncadd.s32 @!p3 $0xFFFFC000;
	s0 =	sadd.s32 s1, s13  }
0x6e: {  	[tilespmem:s17], [sflag:$0x2] =	stream.linear.gather [hbm4b:s4+s3], $0x4000, $0x38;
	[tilespmem:$0x1C200] =	vst v63  }
0x6f: {  	s0 =	sadd.s32 $0x400, s0  }
0x70: {  	[tilespmem:s22], [sflag:$0x2] =	stream.linear.gather [hbm4b:s0+s3], $0x100, $0x38;
	[tilespmem:$0x1C200] =	vst v63  }
0x71: {  	_ =	swait.ge [sflag:s23], $0x4000  }
0x72: {  	[sflag:s23] =	ssyncset.done $0x0  }
0x73: {  	[sflag:s23] =	ssyncadd.s32 $0xFFFFC000  }
0x74: {  	_ =	swait.ge [sflag:s23], $0x100  }
0x75: {  	[sflag:s23] =	ssyncset.done $0x0  }
0x76: {  	[sflag:s23] =	ssyncadd.s32 $0xFFFFFF00  }
0x77: {  	[spmem:s2] =	stream.indirect.scatter.add.f32 [tilespmem:s17], [sflag:$0x4], $0x80, s22, s20, $0xb8;
	[tilespmem:$0x1C200] =	vst v63  }
0x78: {  	_ = 	snop  }
0x79: {  	[spmem:s2] =	stream.indirect.scatter.add.f32 [tilespmem:s17], [sflag:$0x4], $0x80, s24, s20, $0xb8;
	[tilespmem:$0x1C200] =	vst v63  }
0x7a: {  	_ =	swait.ge [sflag:s25], $0x4000  }
0x7b: {  	[sflag:s25] =	ssyncset.done $0x0  }
.Ltmp1:
0x7c: {  	[sflag:s25] =	ssyncadd.s32 $0xFFFFC000;
	(pc) =	sbr.rel @p2 .LBB2_4-.Ltmp1, $4  }
0x7d: {  	p3 =	sgt.u32 s31, $0x9A3;
	_ =	swait.ge [sflag:s25], $0x4000  }
0x7e: {  	s1 =	sadd.s32 @!p3 s1, s13;
	s0 =	simm.s32 @!p3 $0x0;
	[sflag:s25] =	ssyncset.done $0x0  }
0x7f: {  	s6 =	simm.s32 @!p3 $0x8000;
	s4 =	sadd.s32 @!p3 $0x800, s1;
	[sflag:s25] =	ssyncadd.s32 $0xFFFFC000  }
0x80: {  	[tilespmem:s0], [sflag:$0x1] =	stream.linear.gather @!p3 [hbm4b:s30+s0], $0x4000, $0x38;
	[tilespmem:$0x1C200] =	vst v63  }
0x81: {  	[tilespmem:s6], [sflag:$0x1] =	stream.linear.gather @!p3 [hbm4b:s4+s0], $0x100, $0x38;
	[tilespmem:$0x1C200] =	vst v63  }
0x82: {  	s0 =	simm.s32 @!p0 $0x1  }
0x83: {  	_ =	swait.ge @!p0 [sflag:s0], $0x4000  }
0x84: {  	[sflag:s0] =	ssyncset.done @!p0 $0x0  }
0x85: {  	[sflag:s0] =	ssyncadd.s32 @!p0 $0xFFFFC000  }
0x86: {  	_ =	swait.ge @!p0 [sflag:s0], $0x100  }
0x87: {  	s1 =	simm.s32 @!p0 $0x8000;
	[sflag:s0] =	ssyncset.done @!p0 $0x0  }
0x88: {  	s4 =	simm.s32 @!p0 $0x0;
	[sflag:s0] =	ssyncadd.s32 @!p0 $0xFFFFFF00;
	s0 =	simm.s32 @!p0 $0x80  }
0x89: {  	[spmem:s2] =	stream.indirect.scatter.add.f32 @!p0 [tilespmem:s4], [sflag:$0x3], $0x80, s1, s0, $0xb8;
	[tilespmem:$0x1C200] =	vst v63  }
0x8a: {  	s1 =	simm.s32 @!p0 $0x8080  }
0x8b: {  	[spmem:s2] =	stream.indirect.scatter.add.f32 @!p0 [tilespmem:s4], [sflag:$0x3], $0x80, s1, s0, $0xb8;
	[tilespmem:$0x1C200] =	vst v63  }
0x8c: {  	_ =	swait.ge [sflag:s26], $0x4000  }
0x8d: {  	[sflag:s26] =	ssyncset.done $0x0  }
0x8e: {  	[sflag:s26] =	ssyncadd.s32 $0xFFFFC000  }
0x8f: {  	_ =	swait.ge [sflag:s26], $0x4000  }
0x90: {  	[sflag:s26] =	ssyncset.done $0x0  }
0x91: {  	s0 =	simm.s32 @!p1 $0x3;
	[sflag:s26] =	ssyncadd.s32 $0xFFFFC000  }
0x92: {  	_ =	swait.ge @!p1 [sflag:s0], $0x4000  }
0x93: {  	[sflag:s0] =	ssyncset.done @!p1 $0x0  }
0x94: {  	[sflag:s0] =	ssyncadd.s32 @!p1 $0xFFFFC000  }
0x95: {  	s30 =	stileid.u32;
	_ =	swait.ge @!p1 [sflag:s0], $0x4000  }
0x96: {  	s31 =	sshrl.u32 s5, $0x3;
	s28 =	sadd.s32 $0x1, s28;
	[sflag:s0] =	ssyncset.done @!p1 $0x0  }
0x97: {  	p2 =	sne.s32 s28, s12;
	[sflag:s0] =	ssyncadd.s32 @!p1 $0xFFFFC000;
	s0 =	sshll.u32 s30, $0x6  }
.Ltmp2:
0x98: {  	[bflag:$0x0] =	sbarrier.arrive $0xFFFF;
	s0 =	sor.u32 $0x1C05, s0;
	(pc) =	sbr.rel @p2 .LBB2_1-.Ltmp2, $4  }
0x99: {  	[hbm:s11], [sflag:s0] =	dma.local [spmem:s31], $0x2800  }
0x9a: {  	_ =	swait.ge [sflag:s18], $0x2800  }
0x9b: {  	[sflag:s18] =	ssyncset.done $0x0  }
0x9c: {  	[sflag:s18] =	ssyncadd.s32 $0xFFFFD800  }
0x9d: {  	_ =	sfence.sel $0x180000  }
0x9e: {  	[bflag:$0x0] =	sbarrier.arrive $0xFFFF  }
0x9f: {  	_ =	strace $0x90000047  }
0xa0: {  	s0 =	stileid.u32;
	[bflag:$0x2] =	sbarrier.arrive $0xFFFF  }
0xa1: {  	p0 =	sne.s32 s0, $0x0;
	s0 =	rddreg [dreg:$0x4]  }
0xa2: {  	s0 =	sadd.s32 @!p0 $0x100000, s0  }
0xa3: {  	[sflag:s0] =	ssyncadd.tile.s32 @!p0 $0x1;
	_ =	shalt  }
.Lfunc_end2:
_tile_overlayer_lowered:
.L_overlay_start_2:
0xa4: {  	(tag) =	ssettag $0x2  }
0xa5: {  	s0 =	rddreg [dreg:$0x0];
	s2 =	stileid.u32  }
0xa6: {  	s1 =	rddreg [dreg:$0x1];
	p0 =	sne.s32 s2, $0x0  }
0xa7: {  	s3 =	rddreg [dreg:$0x2];
	[bflag:$0x3] =	sbarrier.arrive $0xFFFF;
	s2 =	simm.s32 @!p0 $0x1C05  }
0xa8: {  	[timem:s3], [sflag:s2] =	dma.local @!p0 [hbm:s0], s1  }
0xa9: {  	s0 =	simm.s32 @!p0 $0x5  }
0xaa: {  	_ =	swait.ge @!p0 [sflag:s0], s1  }
0xab: {  	s1 =	ssub.s32 @!p0 $0x0, s1;
	[sflag:s0] =	ssyncset.done @!p0 $0x0  }
0xac: {  	[sflag:s0] =	ssyncadd.s32 @!p0 s1  }
0xad: {  	[bflag:$0x3] =	sbarrier.arrive $0xFFFF  }
0xae: {  	_ =	shalt  }

</sc_bundles>
